<compile_context>
chip_gen: v7x
topology: tpu7x:2x2x1
jax: 0.10.2.dev20260603
libtpu: 0.0.44.dev20260713+nightly
codegen_flags: <defaults>
</compile_context>

<pallas_src>
import jax
import jax.numpy as jnp
from jax import lax
from jax.experimental import pallas as pl
from jax.experimental.pallas import tpu as pltpu
from jax.experimental.pallas import tpu_sc as plsc

_WINDOW = 512
_N_FRAMES = 18750
_N_ROWS = _N_FRAMES * 4
_BLK = 592
_N_TILES = 32
_N_PAD = _BLK * _N_TILES
_GPT = _BLK // 16
_SPT = 2 * _BLK + 4 * _BLK
_LAST_ROWS = _N_FRAMES - (_N_TILES - 1) * _BLK
_LAST_FULL = _LAST_ROWS // 16
_TAILF = _LAST_ROWS - _LAST_FULL * 16


def _score_body(x_ref, w_ref, b_ref, pdest_ref, bsum_ref, carry_ref,
                bvec_ref):
    k = pl.program_id(0)
    frames = x_ref[...]
    w = w_ref[...]
    logits = jnp.dot(frames, w, preferred_element_type=jnp.float32)
    logits = logits + b_ref[0]
    row = lax.broadcasted_iota(jnp.int32, (_BLK, 1), 0) + k * _BLK
    flag = jnp.where((logits > 0.0) & (row < _N_FRAMES), 1.0, 0.0)
    i = lax.broadcasted_iota(jnp.int32, (_BLK, _BLK), 0)
    j = lax.broadcasted_iota(jnp.int32, (_BLK, _BLK), 1)
    tri = jnp.where(i >= j, 1.0, 0.0)
    csum = jnp.dot(tri, flag, preferred_element_type=jnp.float32)

    @pl.when(k == 0)
    def _():
        carry_ref[0, 0] = 0.0
        bvec_ref[...] = jnp.zeros((1, 128), jnp.float32)

    carry = carry_ref[0, 0]
    dest = jnp.where(flag > 0.0, carry + csum, 0.0)
    pdest_ref[...] = dest.astype(jnp.int32).reshape(1, 1, _BLK)
    total = carry + jnp.max(csum)
    lane = lax.broadcasted_iota(jnp.int32, (1, 128), 1)
    bvec_ref[...] = jnp.where(lane == k, total, bvec_ref[...])
    bsum_ref[...] = bvec_ref[...].astype(jnp.int32).reshape(1, 1, 128)
    carry_ref[0, 0] = total


def _score(x2d, w, b):
    pdest, bsum = pl.pallas_call(
        _score_body,
        grid=(_N_TILES,),
        in_specs=[
            pl.BlockSpec((_BLK, _WINDOW), lambda k: (k, 0)),
            pl.BlockSpec((_WINDOW, 1), lambda k: (0, 0)),
            pl.BlockSpec(memory_space=pltpu.SMEM),
        ],
        out_specs=[
            pl.BlockSpec((1, 1, _BLK), lambda k: (k, 0, 0)),
            pl.BlockSpec((1, 1, 128), lambda k: (0, 0, 0)),
        ],
        out_shape=[
            jax.ShapeDtypeStruct((_N_TILES, 1, _BLK), jnp.int32),
            jax.ShapeDtypeStruct((1, 1, 128), jnp.int32),
        ],
        scratch_shapes=[pltpu.SMEM((1, 1), jnp.float32),
                        pltpu.VMEM((1, 128), jnp.float32)],
    )(x2d, w.reshape(_WINDOW, 1), b.reshape(1))
    return pdest.reshape(_N_PAD), bsum.reshape(128)


def _pack_body(x_hbm, pdest_hbm, bsum_hbm, out_hbm,
               pd_v, bs_v, pos_v, val_v, idx_v, idx4_v,
               data_v, data2_v, zero_v, shared, sem):
    cid = lax.axis_index("c")
    sid = lax.axis_index("s")
    wid = sid * 2 + cid
    a = wid * _BLK
    bnd = a + _BLK
    base_sp = sid * _SPT
    lanes = lax.iota(jnp.int32, 16)
    zf = jnp.zeros((16,), jnp.float32)

    pltpu.sync_copy(bsum_hbm.at[pl.ds(0, 32)], bs_v)
    b0 = bs_v[pl.ds(0, 16)]
    b1 = bs_v[pl.ds(16, 16)]
    nsp = b1[15]
    count = jnp.clip(nsp - a, 0, _BLK)
    lo = jnp.int32(0)
    hi = jnp.int32(1)
    for jj in range(16):
        lo = lo + jnp.where(b0[jj] <= a, 1, 0)
        hi = hi + jnp.where(b0[jj] < bnd, 1, 0)
    for jj in range(16):
        lo = lo + jnp.where(b1[jj] <= a, 1, 0)
        if jj <= 14:
            hi = hi + jnp.where(b1[jj] < bnd, 1, 0)
    hi = jnp.minimum(hi, _N_TILES)
    lo = jnp.minimum(lo, hi)

    def _blk(j, c):
        pltpu.sync_copy(pdest_hbm.at[pl.ds(j * _BLK, _BLK)], pd_v)

        def _g(g, cc):
            p = pd_v[pl.ds(g * 16, 16)]
            m = jnp.logical_and(p > a, p <= bnd)
            d = p - 1 - a
            k = g * 16 + lanes
            pos_v[pl.ds(g * 16, 16)] = base_sp + jnp.where(m, d, _BLK + k)
            val_v[pl.ds(g * 16, 16)] = j * _BLK + k
            return cc

        lax.fori_loop(0, _GPT, _g, 0)
        pltpu.async_copy(val_v, shared.at[pos_v], sem).wait()
        return c

    lax.fori_loop(lo, hi, _blk, 0)
    pltpu.sync_copy(shared.at[pl.ds(base_sp, _BLK)], idx_v)

    for q in range(4):
        def _e(g, cc):
            fr = idx_v[pl.ds(g * 16, 16)]
            k = g * 16 + lanes
            safe = jnp.where(k < count, jnp.clip(fr, 0, _N_FRAMES - 1), 0)
            pos_v[pl.ds(g * 16, 16)] = base_sp + 2 * _BLK + 4 * k + q
            val_v[pl.ds(g * 16, 16)] = 4 * safe + q
            return cc

        lax.fori_loop(0, _GPT, _e, 0)
        pltpu.async_copy(val_v, shared.at[pos_v], sem).wait()

    pltpu.sync_copy(shared.at[pl.ds(base_sp + 2 * _BLK, 4 * _BLK)], idx4_v)

    n_full = jnp.where(wid == _N_TILES - 1, _LAST_FULL, _GPT)

    def _start(c, buf):
        @pl.when(jnp.logical_and(c < n_full, count > c * 16))
        def _():
            pltpu.async_copy(x_hbm.at[idx4_v.at[pl.ds(c * 64, 64)]], buf,
                             sem)

    def _finish(c, buf):
        v = count - c * 16

        @pl.when(jnp.logical_and(c < n_full, v > 0))
        def _():
            pltpu.make_async_copy(x_hbm.at[pl.ds(0, 64)], buf, sem).wait()

            @pl.when(v < 16)
            def _():
                def _zt(t, cc):
                    buf[t // 8, pl.ds((t % 8) * 16, 16)] = zf
                    return cc
                lax.fori_loop(v * 32, 512, _zt, 0)

            pltpu.sync_copy(buf, out_hbm.at[pl.ds((a + c * 16) * 4, 64)])

        @pl.when(jnp.logical_and(c < n_full, v <= 0))
        def _():
            pltpu.sync_copy(zero_v, out_hbm.at[pl.ds((a + c * 16) * 4, 64)])

    _start(jnp.int32(0), data_v)

    def _zb(t, c):
        zero_v[t // 8, pl.ds((t % 8) * 16, 16)] = zf
        return c

    lax.fori_loop(0, 512, _zb, 0)

    def _pair(c2, carry):
        c = c2 * 2
        _start(c + 1, data2_v)
        _finish(c, data_v)
        _start(c + 2, data_v)
        _finish(c + 1, data2_v)
        return carry

    lax.fori_loop(0, (_GPT + 1) // 2, _pair, 0)

    @pl.when(wid == _N_TILES - 1)
    def _():
        v2 = count - _LAST_FULL * 16

        @pl.when(v2 > 0)
        def _():
            pltpu.async_copy(
                x_hbm.at[idx4_v.at[pl.ds(_LAST_FULL * 64, 4 * _TAILF)]],
                data_v.at[pl.ds(0, 4 * _TAILF)], sem).wait()

        def _zt(t, cc):
            data_v[t // 8, pl.ds((t % 8) * 16, 16)] = zf
            return cc

        lax.fori_loop(jnp.clip(v2, 0, _TAILF) * 32, 4 * _TAILF * 8, _zt, 0)
        pltpu.sync_copy(data_v.at[pl.ds(0, 4 * _TAILF)],
                        out_hbm.at[pl.ds(_N_ROWS - 4 * _TAILF, 4 * _TAILF)])


def _pack(x4, pdest, bsum):
    mesh = plsc.VectorSubcoreMesh(core_axis_name="c", subcore_axis_name="s",
                                  num_cores=2, num_subcores=16)
    f = pl.kernel(
        _pack_body,
        out_type=jax.ShapeDtypeStruct((_N_ROWS, 128), jnp.float32),
        mesh=mesh,
        scratch_types=[
            pltpu.VMEM((_BLK,), jnp.int32),
            pltpu.VMEM((32,), jnp.int32),
            pltpu.VMEM((_BLK,), jnp.int32),
            pltpu.VMEM((_BLK,), jnp.int32),
            pltpu.VMEM((_BLK,), jnp.int32),
            pltpu.VMEM((4 * _BLK,), jnp.int32),
            pltpu.VMEM((64, 128), jnp.float32),
            pltpu.VMEM((64, 128), jnp.float32),
            pltpu.VMEM((64, 128), jnp.float32),
            pltpu.VMEM_SHARED((16 * _SPT,), jnp.int32),
            pltpu.SemaphoreType.DMA,
        ],
    )
    return f(x4, pdest, bsum)


def kernel(x, W, b):
    x2d = x.reshape(_N_FRAMES, _WINDOW)
    x4 = x.reshape(_N_ROWS, 128)
    pdest, bsum = _score(x2d, W, b)
    out = _pack(x4, pdest, bsum)
    return out.reshape(-1)

# --- scband reference (transcript-rebuilt; emitter-appended) ---
"""Pipeline reference for scband-vad-chunk-47897475285368 (READ-ONLY COPY).

The authoritative reference and input builder live on the scoring server;
editing this copy changes nothing except your own understanding.
"""

import jax, jax.numpy as jnp
import numpy as np

SAMPLE_RATE = 16000
WINDOW = 512  # silero VAD frame size at 16 kHz
THRESHOLD = 0.5


def setup_inputs(seed: int = 0) -> dict:
    key = jax.random.key(seed)
    k1, k2 = jax.random.split(key, 2)
    T = 9_600_000  # 600 s of 16 kHz audio
    x = jax.random.normal(k1, (T,), dtype=jnp.float32)
    # Emulated VAD model parameters: per-window linear scorer -> sigmoid prob
    W = jax.random.normal(k2, (WINDOW,), dtype=jnp.float32) * 0.05
    b = jnp.asarray(0.0, dtype=jnp.float32)
    return {"x": x, "W": W, "b": b}


def reference(x, W, b):
    T = x.shape[0]
    n_frames = T // WINDOW
    frames = x[: n_frames * WINDOW].reshape(n_frames, WINDOW)
    # --- model(x): frame-level speech probabilities ---
    logits = frames @ W + b
    probs = jax.nn.sigmoid(logits)
    # --- get_speech_timestamps: threshold probs into speech frame indices ---
    speech = probs > THRESHOLD
    n_speech = jnp.sum(speech)
    idx = jnp.nonzero(speech, size=n_frames, fill_value=0)[0]
    valid = (jnp.arange(n_frames) < n_speech).astype(frames.dtype)
    # --- collect_chunks: gather speech frames and concatenate ---
    # (static-shape equivalent: speech chunks packed to the front, zero-padded tail)
    chunks = jnp.take(frames, idx, axis=0) * valid[:, None]
    return chunks.reshape(-1)

if __name__ == "__main__":
    import jax
    _d = setup_inputs()
    print(jax.jit(kernel)(*tuple(_d.values())))

</pallas_src>

<mosaic_0001>
#map = affine_map<(d0, d1) -> (0, 0)>
#map1 = affine_map<(d0, d1) -> (0)>
module attributes {stable_mosaic.version = 14 : i64} {
  func.func @_pack_body(%arg0: i32, %arg1: i32, %arg2: memref<75000x128xf32, #tpu.memory_space<hbm>>, %arg3: memref<18944xi32, #tpu.memory_space<hbm>>, %arg4: memref<128xi32, #tpu.memory_space<hbm>>, %arg5: memref<75000x128xf32, #tpu.memory_space<hbm>>, %arg6: memref<592xi32, #tpu.memory_space<vmem>>, %arg7: memref<32xi32, #tpu.memory_space<vmem>>, %arg8: memref<592xi32, #tpu.memory_space<vmem>>, %arg9: memref<592xi32, #tpu.memory_space<vmem>>, %arg10: memref<592xi32, #tpu.memory_space<vmem>>, %arg11: memref<2368xi32, #tpu.memory_space<vmem>>, %arg12: memref<64x128xf32, #tpu.memory_space<vmem>>, %arg13: memref<64x128xf32, #tpu.memory_space<vmem>>, %arg14: memref<64x128xf32, #tpu.memory_space<vmem>>, %arg15: memref<56832xi32, #tpu.memory_space<vmem_shared>>, %arg16: memref<!tpu.dma_semaphore, #tpu.memory_space<semaphore_mem>>) attributes {dimension_semantics = [#tpu.dimension_semantics<core_parallel>, #tpu.dimension_semantics<subcore_parallel>], iteration_bounds = array<i64: 2, 16>, scalar_prefetch = 0 : i64, scratch_operands = 11 : i64, tpu.core_type = #tpu.core_type<sc_vector_subcore>, window_params = [{transform_indices = #map}, {transform_indices = #map1}, {transform_indices = #map1}, {transform_indices = #map}]} {
    %mul3A = arith.constant 2 : i32
    %mul3A_0 = arith.muli %arg1, %mul3A : i32
    %add3A = arith.addi %mul3A_0, %arg0 : i32
    %mul3A_1 = arith.constant 592 : i32
    %mul3A_2 = arith.muli %add3A, %mul3A_1 : i32
    %add3A_3 = arith.constant 592 : i32
    %add3A_4 = arith.addi %mul3A_2, %add3A_3 : i32
    %mul3A_5 = arith.constant 3552 : i32
    %mul3A_6 = arith.muli %arg1, %mul3A_5 : i32
    %iota3A = tpu.iota {dimensions = array<i32: 0>} : vector<16xi32>
    %broadcast_in_dim3A = arith.constant 0.000000e+00 : f32
    %broadcast_in_dim3A_7 = vector.broadcast %broadcast_in_dim3A : f32 to vector<16xf32>
    "tpu.region"() ({
      %run_scoped3A = tpu.sem_alloc : memref<!tpu.dma_semaphore, #tpu.memory_space<semaphore_mem>>
      %dma_start3A_532 = arith.constant 0 : i32
      %dma_start3A_533 = tpu.memref_slice %arg4[%dma_start3A_532] : memref<128xi32, #tpu.memory_space<hbm>> -> memref<32xi32, #tpu.memory_space<hbm>>
      %dma_start3A_534 = arith.constant 0 : i32
      %dma_start3A_535 = tpu.memref_slice %arg4[%dma_start3A_534] : memref<128xi32, #tpu.memory_space<hbm>> -> memref<32xi32, #tpu.memory_space<hbm>>
      tpu.enqueue_dma source(%dma_start3A_535 : memref<32xi32, #tpu.memory_space<hbm>>) target(%arg7 : memref<32xi32, #tpu.memory_space<vmem>>) target_semaphore(%run_scoped3A : memref<!tpu.dma_semaphore, #tpu.memory_space<semaphore_mem>>)
      %dma_wait3A_536 = arith.constant 0 : i32
      %dma_wait3A_537 = tpu.memref_slice %arg4[%dma_wait3A_536] : memref<128xi32, #tpu.memory_space<hbm>> -> memref<32xi32, #tpu.memory_space<hbm>>
      %dma_wait3A_538 = arith.constant 0 : i32
      %dma_wait3A_539 = tpu.memref_slice %arg4[%dma_wait3A_538] : memref<128xi32, #tpu.memory_space<hbm>> -> memref<32xi32, #tpu.memory_space<hbm>>
      tpu.wait_dma2 semaphore(%run_scoped3A : memref<!tpu.dma_semaphore, #tpu.memory_space<semaphore_mem>>) src(%dma_wait3A_539 : memref<32xi32, #tpu.memory_space<hbm>>) dst(%arg7 : memref<32xi32, #tpu.memory_space<vmem>>)
      tpu.yield
    }) : () -> ()
    %get3A = arith.constant 0 : index
    %get3A_8 = tpu.vector_load %arg7[%get3A] {strides = array<i32>} : memref<32xi32, #tpu.memory_space<vmem>>, vector<16xi32>,
    %get3A_9 = vector.shape_cast %get3A_8 : vector<16xi32> to vector<16xi32>
    %get3A_10 = arith.constant 16 : index
    %get3A_11 = tpu.vector_load %arg7[%get3A_10] {strides = array<i32>} : memref<32xi32, #tpu.memory_space<vmem>>, vector<16xi32>,
    %get3A_12 = vector.shape_cast %get3A_11 : vector<16xi32> to vector<16xi32>
    %slice3A = vector.extract_strided_slice %get3A_12 {offsets = [15], sizes = [1], strides = [1]} : vector<16xi32> to vector<1xi32>
    %squeeze3A = vector.extract %slice3A[0] : i32 from vector<1xi32>
    %sub3A = arith.subi %squeeze3A, %mul3A_2 : i32
    %jit3A = arith.constant 0 : i32
    %jit3A_13 = arith.constant 592 : i32
    %max3A = arith.maxsi %jit3A, %sub3A : i32
    %min3A = arith.minsi %jit3A_13, %max3A : i32
    %slice3A_14 = vector.extract_strided_slice %get3A_9 {offsets = [0], sizes = [1], strides = [1]} : vector<16xi32> to vector<1xi32>
    %squeeze3A_15 = vector.extract %slice3A_14[0] : i32 from vector<1xi32>
    %le3A = arith.cmpi sle, %squeeze3A_15, %mul3A_2 : i32
    %jit3A_16 = arith.constant 1 : i32
    %jit3A_17 = arith.constant 0 : i32
    %select_n3A = arith.select %le3A, %jit3A_16, %jit3A_17 : i32
    %add3A_18 = arith.constant 0 : i32
    %add3A_19 = arith.addi %add3A_18, %select_n3A : i32
    %slice3A_20 = vector.extract_strided_slice %get3A_9 {offsets = [0], sizes = [1], strides = [1]} : vector<16xi32> to vector<1xi32>
    %squeeze3A_21 = vector.extract %slice3A_20[0] : i32 from vector<1xi32>
    %lt3A = arith.cmpi slt, %squeeze3A_21, %add3A_4 : i32
    %jit3A_22 = arith.constant 1 : i32
    %jit3A_23 = arith.constant 0 : i32
    %select_n3A_24 = arith.select %lt3A, %jit3A_22, %jit3A_23 : i32
    %add3A_25 = arith.constant 1 : i32
    %add3A_26 = arith.addi %add3A_25, %select_n3A_24 : i32
    %slice3A_27 = vector.extract_strided_slice %get3A_9 {offsets = [1], sizes = [1], strides = [1]} : vector<16xi32> to vector<1xi32>
    %squeeze3A_28 = vector.extract %slice3A_27[0] : i32 from vector<1xi32>
    %le3A_29 = arith.cmpi sle, %squeeze3A_28, %mul3A_2 : i32
    %jit3A_30 = arith.constant 1 : i32
    %jit3A_31 = arith.constant 0 : i32
    %select_n3A_32 = arith.select %le3A_29, %jit3A_30, %jit3A_31 : i32
    %add3A_33 = arith.addi %add3A_19, %select_n3A_32 : i32
    %slice3A_34 = vector.extract_strided_slice %get3A_9 {offsets = [1], sizes = [1], strides = [1]} : vector<16xi32> to vector<1xi32>
    %squeeze3A_35 = vector.extract %slice3A_34[0] : i32 from vector<1xi32>
    %lt3A_36 = arith.cmpi slt, %squeeze3A_35, %add3A_4 : i32
    %jit3A_37 = arith.constant 1 : i32
    %jit3A_38 = arith.constant 0 : i32
    %select_n3A_39 = arith.select %lt3A_36, %jit3A_37, %jit3A_38 : i32
    %add3A_40 = arith.addi %add3A_26, %select_n3A_39 : i32
    %slice3A_41 = vector.extract_strided_slice %get3A_9 {offsets = [2], sizes = [1], strides = [1]} : vector<16xi32> to vector<1xi32>
    %squeeze3A_42 = vector.extract %slice3A_41[0] : i32 from vector<1xi32>
    %le3A_43 = arith.cmpi sle, %squeeze3A_42, %mul3A_2 : i32
    %jit3A_44 = arith.constant 1 : i32
    %jit3A_45 = arith.constant 0 : i32
    %select_n3A_46 = arith.select %le3A_43, %jit3A_44, %jit3A_45 : i32
    %add3A_47 = arith.addi %add3A_33, %select_n3A_46 : i32
    %slice3A_48 = vector.extract_strided_slice %get3A_9 {offsets = [2], sizes = [1], strides = [1]} : vector<16xi32> to vector<1xi32>
    %squeeze3A_49 = vector.extract %slice3A_48[0] : i32 from vector<1xi32>
    %lt3A_50 = arith.cmpi slt, %squeeze3A_49, %add3A_4 : i32
    %jit3A_51 = arith.constant 1 : i32
    %jit3A_52 = arith.constant 0 : i32
    %select_n3A_53 = arith.select %lt3A_50, %jit3A_51, %jit3A_52 : i32
    %add3A_54 = arith.addi %add3A_40, %select_n3A_53 : i32
    %slice3A_55 = vector.extract_strided_slice %get3A_9 {offsets = [3], sizes = [1], strides = [1]} : vector<16xi32> to vector<1xi32>
    %squeeze3A_56 = vector.extract %slice3A_55[0] : i32 from vector<1xi32>
    %le3A_57 = arith.cmpi sle, %squeeze3A_56, %mul3A_2 : i32
    %jit3A_58 = arith.constant 1 : i32
    %jit3A_59 = arith.constant 0 : i32
    %select_n3A_60 = arith.select %le3A_57, %jit3A_58, %jit3A_59 : i32
    %add3A_61 = arith.addi %add3A_47, %select_n3A_60 : i32
    %slice3A_62 = vector.extract_strided_slice %get3A_9 {offsets = [3], sizes = [1], strides = [1]} : vector<16xi32> to vector<1xi32>
    %squeeze3A_63 = vector.extract %slice3A_62[0] : i32 from vector<1xi32>
    %lt3A_64 = arith.cmpi slt, %squeeze3A_63, %add3A_4 : i32
    %jit3A_65 = arith.constant 1 : i32
    %jit3A_66 = arith.constant 0 : i32
    %select_n3A_67 = arith.select %lt3A_64, %jit3A_65, %jit3A_66 : i32
    %add3A_68 = arith.addi %add3A_54, %select_n3A_67 : i32
    %slice3A_69 = vector.extract_strided_slice %get3A_9 {offsets = [4], sizes = [1], strides = [1]} : vector<16xi32> to vector<1xi32>
    %squeeze3A_70 = vector.extract %slice3A_69[0] : i32 from vector<1xi32>
    %le3A_71 = arith.cmpi sle, %squeeze3A_70, %mul3A_2 : i32
    %jit3A_72 = arith.constant 1 : i32
    %jit3A_73 = arith.constant 0 : i32
    %select_n3A_74 = arith.select %le3A_71, %jit3A_72, %jit3A_73 : i32
    %add3A_75 = arith.addi %add3A_61, %select_n3A_74 : i32
    %slice3A_76 = vector.extract_strided_slice %get3A_9 {offsets = [4], sizes = [1], strides = [1]} : vector<16xi32> to vector<1xi32>
    %squeeze3A_77 = vector.extract %slice3A_76[0] : i32 from vector<1xi32>
    %lt3A_78 = arith.cmpi slt, %squeeze3A_77, %add3A_4 : i32
    %jit3A_79 = arith.constant 1 : i32
    %jit3A_80 = arith.constant 0 : i32
    %select_n3A_81 = arith.select %lt3A_78, %jit3A_79, %jit3A_80 : i32
    %add3A_82 = arith.addi %add3A_68, %select_n3A_81 : i32
    %slice3A_83 = vector.extract_strided_slice %get3A_9 {offsets = [5], sizes = [1], strides = [1]} : vector<16xi32> to vector<1xi32>
    %squeeze3A_84 = vector.extract %slice3A_83[0] : i32 from vector<1xi32>
    %le3A_85 = arith.cmpi sle, %squeeze3A_84, %mul3A_2 : i32
    %jit3A_86 = arith.constant 1 : i32
    %jit3A_87 = arith.constant 0 : i32
    %select_n3A_88 = arith.select %le3A_85, %jit3A_86, %jit3A_87 : i32
    %add3A_89 = arith.addi %add3A_75, %select_n3A_88 : i32
    %slice3A_90 = vector.extract_strided_slice %get3A_9 {offsets = [5], sizes = [1], strides = [1]} : vector<16xi32> to vector<1xi32>
    %squeeze3A_91 = vector.extract %slice3A_90[0] : i32 from vector<1xi32>
    %lt3A_92 = arith.cmpi slt, %squeeze3A_91, %add3A_4 : i32
    %jit3A_93 = arith.constant 1 : i32
    %jit3A_94 = arith.constant 0 : i32
    %select_n3A_95 = arith.select %lt3A_92, %jit3A_93, %jit3A_94 : i32
    %add3A_96 = arith.addi %add3A_82, %select_n3A_95 : i32
    %slice3A_97 = vector.extract_strided_slice %get3A_9 {offsets = [6], sizes = [1], strides = [1]} : vector<16xi32> to vector<1xi32>
    %squeeze3A_98 = vector.extract %slice3A_97[0] : i32 from vector<1xi32>
    %le3A_99 = arith.cmpi sle, %squeeze3A_98, %mul3A_2 : i32
    %jit3A_100 = arith.constant 1 : i32
    %jit3A_101 = arith.constant 0 : i32
    %select_n3A_102 = arith.select %le3A_99, %jit3A_100, %jit3A_101 : i32
    %add3A_103 = arith.addi %add3A_89, %select_n3A_102 : i32
    %slice3A_104 = vector.extract_strided_slice %get3A_9 {offsets = [6], sizes = [1], strides = [1]} : vector<16xi32> to vector<1xi32>
    %squeeze3A_105 = vector.extract %slice3A_104[0] : i32 from vector<1xi32>
    %lt3A_106 = arith.cmpi slt, %squeeze3A_105, %add3A_4 : i32
    %jit3A_107 = arith.constant 1 : i32
    %jit3A_108 = arith.constant 0 : i32
    %select_n3A_109 = arith.select %lt3A_106, %jit3A_107, %jit3A_108 : i32
    %add3A_110 = arith.addi %add3A_96, %select_n3A_109 : i32
    %slice3A_111 = vector.extract_strided_slice %get3A_9 {offsets = [7], sizes = [1], strides = [1]} : vector<16xi32> to vector<1xi32>
    %squeeze3A_112 = vector.extract %slice3A_111[0] : i32 from vector<1xi32>
    %le3A_113 = arith.cmpi sle, %squeeze3A_112, %mul3A_2 : i32
    %jit3A_114 = arith.constant 1 : i32
    %jit3A_115 = arith.constant 0 : i32
    %select_n3A_116 = arith.select %le3A_113, %jit3A_114, %jit3A_115 : i32
    %add3A_117 = arith.addi %add3A_103, %select_n3A_116 : i32
    %slice3A_118 = vector.extract_strided_slice %get3A_9 {offsets = [7], sizes = [1], strides = [1]} : vector<16xi32> to vector<1xi32>
    %squeeze3A_119 = vector.extract %slice3A_118[0] : i32 from vector<1xi32>
    %lt3A_120 = arith.cmpi slt, %squeeze3A_119, %add3A_4 : i32
    %jit3A_121 = arith.constant 1 : i32
    %jit3A_122 = arith.constant 0 : i32
    %select_n3A_123 = arith.select %lt3A_120, %jit3A_121, %jit3A_122 : i32
    %add3A_124 = arith.addi %add3A_110, %select_n3A_123 : i32
    %slice3A_125 = vector.extract_strided_slice %get3A_9 {offsets = [8], sizes = [1], strides = [1]} : vector<16xi32> to vector<1xi32>
    %squeeze3A_126 = vector.extract %slice3A_125[0] : i32 from vector<1xi32>
    %le3A_127 = arith.cmpi sle, %squeeze3A_126, %mul3A_2 : i32
    %jit3A_128 = arith.constant 1 : i32
    %jit3A_129 = arith.constant 0 : i32
    %select_n3A_130 = arith.select %le3A_127, %jit3A_128, %jit3A_129 : i32
    %add3A_131 = arith.addi %add3A_117, %select_n3A_130 : i32
    %slice3A_132 = vector.extract_strided_slice %get3A_9 {offsets = [8], sizes = [1], strides = [1]} : vector<16xi32> to vector<1xi32>
    %squeeze3A_133 = vector.extract %slice3A_132[0] : i32 from vector<1xi32>
    %lt3A_134 = arith.cmpi slt, %squeeze3A_133, %add3A_4 : i32
    %jit3A_135 = arith.constant 1 : i32
    %jit3A_136 = arith.constant 0 : i32
    %select_n3A_137 = arith.select %lt3A_134, %jit3A_135, %jit3A_136 : i32
    %add3A_138 = arith.addi %add3A_124, %select_n3A_137 : i32
    %slice3A_139 = vector.extract_strided_slice %get3A_9 {offsets = [9], sizes = [1], strides = [1]} : vector<16xi32> to vector<1xi32>
    %squeeze3A_140 = vector.extract %slice3A_139[0] : i32 from vector<1xi32>
    %le3A_141 = arith.cmpi sle, %squeeze3A_140, %mul3A_2 : i32
    %jit3A_142 = arith.constant 1 : i32
    %jit3A_143 = arith.constant 0 : i32
    %select_n3A_144 = arith.select %le3A_141, %jit3A_142, %jit3A_143 : i32
    %add3A_145 = arith.addi %add3A_131, %select_n3A_144 : i32
    %slice3A_146 = vector.extract_strided_slice %get3A_9 {offsets = [9], sizes = [1], strides = [1]} : vector<16xi32> to vector<1xi32>
    %squeeze3A_147 = vector.extract %slice3A_146[0] : i32 from vector<1xi32>
    %lt3A_148 = arith.cmpi slt, %squeeze3A_147, %add3A_4 : i32
    %jit3A_149 = arith.constant 1 : i32
    %jit3A_150 = arith.constant 0 : i32
    %select_n3A_151 = arith.select %lt3A_148, %jit3A_149, %jit3A_150 : i32
    %add3A_152 = arith.addi %add3A_138, %select_n3A_151 : i32
    %slice3A_153 = vector.extract_strided_slice %get3A_9 {offsets = [10], sizes = [1], strides = [1]} : vector<16xi32> to vector<1xi32>
    %squeeze3A_154 = vector.extract %slice3A_153[0] : i32 from vector<1xi32>
    %le3A_155 = arith.cmpi sle, %squeeze3A_154, %mul3A_2 : i32
    %jit3A_156 = arith.constant 1 : i32
    %jit3A_157 = arith.constant 0 : i32
    %select_n3A_158 = arith.select %le3A_155, %jit3A_156, %jit3A_157 : i32
    %add3A_159 = arith.addi %add3A_145, %select_n3A_158 : i32
    %slice3A_160 = vector.extract_strided_slice %get3A_9 {offsets = [10], sizes = [1], strides = [1]} : vector<16xi32> to vector<1xi32>
    %squeeze3A_161 = vector.extract %slice3A_160[0] : i32 from vector<1xi32>
    %lt3A_162 = arith.cmpi slt, %squeeze3A_161, %add3A_4 : i32
    %jit3A_163 = arith.constant 1 : i32
    %jit3A_164 = arith.constant 0 : i32
    %select_n3A_165 = arith.select %lt3A_162, %jit3A_163, %jit3A_164 : i32
    %add3A_166 = arith.addi %add3A_152, %select_n3A_165 : i32
    %slice3A_167 = vector.extract_strided_slice %get3A_9 {offsets = [11], sizes = [1], strides = [1]} : vector<16xi32> to vector<1xi32>
    %squeeze3A_168 = vector.extract %slice3A_167[0] : i32 from vector<1xi32>
    %le3A_169 = arith.cmpi sle, %squeeze3A_168, %mul3A_2 : i32
    %jit3A_170 = arith.constant 1 : i32
    %jit3A_171 = arith.constant 0 : i32
    %select_n3A_172 = arith.select %le3A_169, %jit3A_170, %jit3A_171 : i32
    %add3A_173 = arith.addi %add3A_159, %select_n3A_172 : i32
    %slice3A_174 = vector.extract_strided_slice %get3A_9 {offsets = [11], sizes = [1], strides = [1]} : vector<16xi32> to vector<1xi32>
    %squeeze3A_175 = vector.extract %slice3A_174[0] : i32 from vector<1xi32>
    %lt3A_176 = arith.cmpi slt, %squeeze3A_175, %add3A_4 : i32
    %jit3A_177 = arith.constant 1 : i32
    %jit3A_178 = arith.constant 0 : i32
    %select_n3A_179 = arith.select %lt3A_176, %jit3A_177, %jit3A_178 : i32
    %add3A_180 = arith.addi %add3A_166, %select_n3A_179 : i32
    %slice3A_181 = vector.extract_strided_slice %get3A_9 {offsets = [12], sizes = [1], strides = [1]} : vector<16xi32> to vector<1xi32>
    %squeeze3A_182 = vector.extract %slice3A_181[0] : i32 from vector<1xi32>
    %le3A_183 = arith.cmpi sle, %squeeze3A_182, %mul3A_2 : i32
    %jit3A_184 = arith.constant 1 : i32
    %jit3A_185 = arith.constant 0 : i32
    %select_n3A_186 = arith.select %le3A_183, %jit3A_184, %jit3A_185 : i32
    %add3A_187 = arith.addi %add3A_173, %select_n3A_186 : i32
    %slice3A_188 = vector.extract_strided_slice %get3A_9 {offsets = [12], sizes = [1], strides = [1]} : vector<16xi32> to vector<1xi32>
    %squeeze3A_189 = vector.extract %slice3A_188[0] : i32 from vector<1xi32>
    %lt3A_190 = arith.cmpi slt, %squeeze3A_189, %add3A_4 : i32
    %jit3A_191 = arith.constant 1 : i32
    %jit3A_192 = arith.constant 0 : i32
    %select_n3A_193 = arith.select %lt3A_190, %jit3A_191, %jit3A_192 : i32
    %add3A_194 = arith.addi %add3A_180, %select_n3A_193 : i32
    %slice3A_195 = vector.extract_strided_slice %get3A_9 {offsets = [13], sizes = [1], strides = [1]} : vector<16xi32> to vector<1xi32>
    %squeeze3A_196 = vector.extract %slice3A_195[0] : i32 from vector<1xi32>
    %le3A_197 = arith.cmpi sle, %squeeze3A_196, %mul3A_2 : i32
    %jit3A_198 = arith.constant 1 : i32
    %jit3A_199 = arith.constant 0 : i32
    %select_n3A_200 = arith.select %le3A_197, %jit3A_198, %jit3A_199 : i32
    %add3A_201 = arith.addi %add3A_187, %select_n3A_200 : i32
    %slice3A_202 = vector.extract_strided_slice %get3A_9 {offsets = [13], sizes = [1], strides = [1]} : vector<16xi32> to vector<1xi32>
    %squeeze3A_203 = vector.extract %slice3A_202[0] : i32 from vector<1xi32>
    %lt3A_204 = arith.cmpi slt, %squeeze3A_203, %add3A_4 : i32
    %jit3A_205 = arith.constant 1 : i32
    %jit3A_206 = arith.constant 0 : i32
    %select_n3A_207 = arith.select %lt3A_204, %jit3A_205, %jit3A_206 : i32
    %add3A_208 = arith.addi %add3A_194, %select_n3A_207 : i32
    %slice3A_209 = vector.extract_strided_slice %get3A_9 {offsets = [14], sizes = [1], strides = [1]} : vector<16xi32> to vector<1xi32>
    %squeeze3A_210 = vector.extract %slice3A_209[0] : i32 from vector<1xi32>
    %le3A_211 = arith.cmpi sle, %squeeze3A_210, %mul3A_2 : i32
    %jit3A_212 = arith.constant 1 : i32
    %jit3A_213 = arith.constant 0 : i32
    %select_n3A_214 = arith.select %le3A_211, %jit3A_212, %jit3A_213 : i32
    %add3A_215 = arith.addi %add3A_201, %select_n3A_214 : i32
    %slice3A_216 = vector.extract_strided_slice %get3A_9 {offsets = [14], sizes = [1], strides = [1]} : vector<16xi32> to vector<1xi32>
    %squeeze3A_217 = vector.extract %slice3A_216[0] : i32 from vector<1xi32>
    %lt3A_218 = arith.cmpi slt, %squeeze3A_217, %add3A_4 : i32
    %jit3A_219 = arith.constant 1 : i32
    %jit3A_220 = arith.constant 0 : i32
    %select_n3A_221 = arith.select %lt3A_218, %jit3A_219, %jit3A_220 : i32
    %add3A_222 = arith.addi %add3A_208, %select_n3A_221 : i32
    %slice3A_223 = vector.extract_strided_slice %get3A_9 {offsets = [15], sizes = [1], strides = [1]} : vector<16xi32> to vector<1xi32>
    %squeeze3A_224 = vector.extract %slice3A_223[0] : i32 from vector<1xi32>
    %le3A_225 = arith.cmpi sle, %squeeze3A_224, %mul3A_2 : i32
    %jit3A_226 = arith.constant 1 : i32
    %jit3A_227 = arith.constant 0 : i32
    %select_n3A_228 = arith.select %le3A_225, %jit3A_226, %jit3A_227 : i32
    %add3A_229 = arith.addi %add3A_215, %select_n3A_228 : i32
    %slice3A_230 = vector.extract_strided_slice %get3A_9 {offsets = [15], sizes = [1], strides = [1]} : vector<16xi32> to vector<1xi32>
    %squeeze3A_231 = vector.extract %slice3A_230[0] : i32 from vector<1xi32>
    %lt3A_232 = arith.cmpi slt, %squeeze3A_231, %add3A_4 : i32
    %jit3A_233 = arith.constant 1 : i32
    %jit3A_234 = arith.constant 0 : i32
    %select_n3A_235 = arith.select %lt3A_232, %jit3A_233, %jit3A_234 : i32
    %add3A_236 = arith.addi %add3A_222, %select_n3A_235 : i32
    %slice3A_237 = vector.extract_strided_slice %get3A_12 {offsets = [0], sizes = [1], strides = [1]} : vector<16xi32> to vector<1xi32>
    %squeeze3A_238 = vector.extract %slice3A_237[0] : i32 from vector<1xi32>
    %le3A_239 = arith.cmpi sle, %squeeze3A_238, %mul3A_2 : i32
    %jit3A_240 = arith.constant 1 : i32
    %jit3A_241 = arith.constant 0 : i32
    %select_n3A_242 = arith.select %le3A_239, %jit3A_240, %jit3A_241 : i32
    %add3A_243 = arith.addi %add3A_229, %select_n3A_242 : i32
    %slice3A_244 = vector.extract_strided_slice %get3A_12 {offsets = [0], sizes = [1], strides = [1]} : vector<16xi32> to vector<1xi32>
    %squeeze3A_245 = vector.extract %slice3A_244[0] : i32 from vector<1xi32>
    %lt3A_246 = arith.cmpi slt, %squeeze3A_245, %add3A_4 : i32
    %jit3A_247 = arith.constant 1 : i32
    %jit3A_248 = arith.constant 0 : i32
    %select_n3A_249 = arith.select %lt3A_246, %jit3A_247, %jit3A_248 : i32
    %add3A_250 = arith.addi %add3A_236, %select_n3A_249 : i32
    %slice3A_251 = vector.extract_strided_slice %get3A_12 {offsets = [1], sizes = [1], strides = [1]} : vector<16xi32> to vector<1xi32>
    %squeeze3A_252 = vector.extract %slice3A_251[0] : i32 from vector<1xi32>
    %le3A_253 = arith.cmpi sle, %squeeze3A_252, %mul3A_2 : i32
    %jit3A_254 = arith.constant 1 : i32
    %jit3A_255 = arith.constant 0 : i32
    %select_n3A_256 = arith.select %le3A_253, %jit3A_254, %jit3A_255 : i32
    %add3A_257 = arith.addi %add3A_243, %select_n3A_256 : i32
    %slice3A_258 = vector.extract_strided_slice %get3A_12 {offsets = [1], sizes = [1], strides = [1]} : vector<16xi32> to vector<1xi32>
    %squeeze3A_259 = vector.extract %slice3A_258[0] : i32 from vector<1xi32>
    %lt3A_260 = arith.cmpi slt, %squeeze3A_259, %add3A_4 : i32
    %jit3A_261 = arith.constant 1 : i32
    %jit3A_262 = arith.constant 0 : i32
    %select_n3A_263 = arith.select %lt3A_260, %jit3A_261, %jit3A_262 : i32
    %add3A_264 = arith.addi %add3A_250, %select_n3A_263 : i32
    %slice3A_265 = vector.extract_strided_slice %get3A_12 {offsets = [2], sizes = [1], strides = [1]} : vector<16xi32> to vector<1xi32>
    %squeeze3A_266 = vector.extract %slice3A_265[0] : i32 from vector<1xi32>
    %le3A_267 = arith.cmpi sle, %squeeze3A_266, %mul3A_2 : i32
    %jit3A_268 = arith.constant 1 : i32
    %jit3A_269 = arith.constant 0 : i32
    %select_n3A_270 = arith.select %le3A_267, %jit3A_268, %jit3A_269 : i32
    %add3A_271 = arith.addi %add3A_257, %select_n3A_270 : i32
    %slice3A_272 = vector.extract_strided_slice %get3A_12 {offsets = [2], sizes = [1], strides = [1]} : vector<16xi32> to vector<1xi32>
    %squeeze3A_273 = vector.extract %slice3A_272[0] : i32 from vector<1xi32>
    %lt3A_274 = arith.cmpi slt, %squeeze3A_273, %add3A_4 : i32
    %jit3A_275 = arith.constant 1 : i32
    %jit3A_276 = arith.constant 0 : i32
    %select_n3A_277 = arith.select %lt3A_274, %jit3A_275, %jit3A_276 : i32
    %add3A_278 = arith.addi %add3A_264, %select_n3A_277 : i32
    %slice3A_279 = vector.extract_strided_slice %get3A_12 {offsets = [3], sizes = [1], strides = [1]} : vector<16xi32> to vector<1xi32>
    %squeeze3A_280 = vector.extract %slice3A_279[0] : i32 from vector<1xi32>
    %le3A_281 = arith.cmpi sle, %squeeze3A_280, %mul3A_2 : i32
    %jit3A_282 = arith.constant 1 : i32
    %jit3A_283 = arith.constant 0 : i32
    %select_n3A_284 = arith.select %le3A_281, %jit3A_282, %jit3A_283 : i32
    %add3A_285 = arith.addi %add3A_271, %select_n3A_284 : i32
    %slice3A_286 = vector.extract_strided_slice %get3A_12 {offsets = [3], sizes = [1], strides = [1]} : vector<16xi32> to vector<1xi32>
    %squeeze3A_287 = vector.extract %slice3A_286[0] : i32 from vector<1xi32>
    %lt3A_288 = arith.cmpi slt, %squeeze3A_287, %add3A_4 : i32
    %jit3A_289 = arith.constant 1 : i32
    %jit3A_290 = arith.constant 0 : i32
    %select_n3A_291 = arith.select %lt3A_288, %jit3A_289, %jit3A_290 : i32
    %add3A_292 = arith.addi %add3A_278, %select_n3A_291 : i32
    %slice3A_293 = vector.extract_strided_slice %get3A_12 {offsets = [4], sizes = [1], strides = [1]} : vector<16xi32> to vector<1xi32>
    %squeeze3A_294 = vector.extract %slice3A_293[0] : i32 from vector<1xi32>
    %le3A_295 = arith.cmpi sle, %squeeze3A_294, %mul3A_2 : i32
    %jit3A_296 = arith.constant 1 : i32
    %jit3A_297 = arith.constant 0 : i32
    %select_n3A_298 = arith.select %le3A_295, %jit3A_296, %jit3A_297 : i32
    %add3A_299 = arith.addi %add3A_285, %select_n3A_298 : i32
    %slice3A_300 = vector.extract_strided_slice %get3A_12 {offsets = [4], sizes = [1], strides = [1]} : vector<16xi32> to vector<1xi32>
    %squeeze3A_301 = vector.extract %slice3A_300[0] : i32 from vector<1xi32>
    %lt3A_302 = arith.cmpi slt, %squeeze3A_301, %add3A_4 : i32
    %jit3A_303 = arith.constant 1 : i32
    %jit3A_304 = arith.constant 0 : i32
    %select_n3A_305 = arith.select %lt3A_302, %jit3A_303, %jit3A_304 : i32
    %add3A_306 = arith.addi %add3A_292, %select_n3A_305 : i32
    %slice3A_307 = vector.extract_strided_slice %get3A_12 {offsets = [5], sizes = [1], strides = [1]} : vector<16xi32> to vector<1xi32>
    %squeeze3A_308 = vector.extract %slice3A_307[0] : i32 from vector<1xi32>
    %le3A_309 = arith.cmpi sle, %squeeze3A_308, %mul3A_2 : i32
    %jit3A_310 = arith.constant 1 : i32
    %jit3A_311 = arith.constant 0 : i32
    %select_n3A_312 = arith.select %le3A_309, %jit3A_310, %jit3A_311 : i32
    %add3A_313 = arith.addi %add3A_299, %select_n3A_312 : i32
    %slice3A_314 = vector.extract_strided_slice %get3A_12 {offsets = [5], sizes = [1], strides = [1]} : vector<16xi32> to vector<1xi32>
    %squeeze3A_315 = vector.extract %slice3A_314[0] : i32 from vector<1xi32>
    %lt3A_316 = arith.cmpi slt, %squeeze3A_315, %add3A_4 : i32
    %jit3A_317 = arith.constant 1 : i32
    %jit3A_318 = arith.constant 0 : i32
    %select_n3A_319 = arith.select %lt3A_316, %jit3A_317, %jit3A_318 : i32
    %add3A_320 = arith.addi %add3A_306, %select_n3A_319 : i32
    %slice3A_321 = vector.extract_strided_slice %get3A_12 {offsets = [6], sizes = [1], strides = [1]} : vector<16xi32> to vector<1xi32>
    %squeeze3A_322 = vector.extract %slice3A_321[0] : i32 from vector<1xi32>
    %le3A_323 = arith.cmpi sle, %squeeze3A_322, %mul3A_2 : i32
    %jit3A_324 = arith.constant 1 : i32
    %jit3A_325 = arith.constant 0 : i32
    %select_n3A_326 = arith.select %le3A_323, %jit3A_324, %jit3A_325 : i32
    %add3A_327 = arith.addi %add3A_313, %select_n3A_326 : i32
    %slice3A_328 = vector.extract_strided_slice %get3A_12 {offsets = [6], sizes = [1], strides = [1]} : vector<16xi32> to vector<1xi32>
    %squeeze3A_329 = vector.extract %slice3A_328[0] : i32 from vector<1xi32>
    %lt3A_330 = arith.cmpi slt, %squeeze3A_329, %add3A_4 : i32
    %jit3A_331 = arith.constant 1 : i32
    %jit3A_332 = arith.constant 0 : i32
    %select_n3A_333 = arith.select %lt3A_330, %jit3A_331, %jit3A_332 : i32
    %add3A_334 = arith.addi %add3A_320, %select_n3A_333 : i32
    %slice3A_335 = vector.extract_strided_slice %get3A_12 {offsets = [7], sizes = [1], strides = [1]} : vector<16xi32> to vector<1xi32>
    %squeeze3A_336 = vector.extract %slice3A_335[0] : i32 from vector<1xi32>
    %le3A_337 = arith.cmpi sle, %squeeze3A_336, %mul3A_2 : i32
    %jit3A_338 = arith.constant 1 : i32
    %jit3A_339 = arith.constant 0 : i32
    %select_n3A_340 = arith.select %le3A_337, %jit3A_338, %jit3A_339 : i32
    %add3A_341 = arith.addi %add3A_327, %select_n3A_340 : i32
    %slice3A_342 = vector.extract_strided_slice %get3A_12 {offsets = [7], sizes = [1], strides = [1]} : vector<16xi32> to vector<1xi32>
    %squeeze3A_343 = vector.extract %slice3A_342[0] : i32 from vector<1xi32>
    %lt3A_344 = arith.cmpi slt, %squeeze3A_343, %add3A_4 : i32
    %jit3A_345 = arith.constant 1 : i32
    %jit3A_346 = arith.constant 0 : i32
    %select_n3A_347 = arith.select %lt3A_344, %jit3A_345, %jit3A_346 : i32
    %add3A_348 = arith.addi %add3A_334, %select_n3A_347 : i32
    %slice3A_349 = vector.extract_strided_slice %get3A_12 {offsets = [8], sizes = [1], strides = [1]} : vector<16xi32> to vector<1xi32>
    %squeeze3A_350 = vector.extract %slice3A_349[0] : i32 from vector<1xi32>
    %le3A_351 = arith.cmpi sle, %squeeze3A_350, %mul3A_2 : i32
    %jit3A_352 = arith.constant 1 : i32
    %jit3A_353 = arith.constant 0 : i32
    %select_n3A_354 = arith.select %le3A_351, %jit3A_352, %jit3A_353 : i32
    %add3A_355 = arith.addi %add3A_341, %select_n3A_354 : i32
    %slice3A_356 = vector.extract_strided_slice %get3A_12 {offsets = [8], sizes = [1], strides = [1]} : vector<16xi32> to vector<1xi32>
    %squeeze3A_357 = vector.extract %slice3A_356[0] : i32 from vector<1xi32>
    %lt3A_358 = arith.cmpi slt, %squeeze3A_357, %add3A_4 : i32
    %jit3A_359 = arith.constant 1 : i32
    %jit3A_360 = arith.constant 0 : i32
    %select_n3A_361 = arith.select %lt3A_358, %jit3A_359, %jit3A_360 : i32
    %add3A_362 = arith.addi %add3A_348, %select_n3A_361 : i32
    %slice3A_363 = vector.extract_strided_slice %get3A_12 {offsets = [9], sizes = [1], strides = [1]} : vector<16xi32> to vector<1xi32>
    %squeeze3A_364 = vector.extract %slice3A_363[0] : i32 from vector<1xi32>
    %le3A_365 = arith.cmpi sle, %squeeze3A_364, %mul3A_2 : i32
    %jit3A_366 = arith.constant 1 : i32
    %jit3A_367 = arith.constant 0 : i32
    %select_n3A_368 = arith.select %le3A_365, %jit3A_366, %jit3A_367 : i32
    %add3A_369 = arith.addi %add3A_355, %select_n3A_368 : i32
    %slice3A_370 = vector.extract_strided_slice %get3A_12 {offsets = [9], sizes = [1], strides = [1]} : vector<16xi32> to vector<1xi32>
    %squeeze3A_371 = vector.extract %slice3A_370[0] : i32 from vector<1xi32>
    %lt3A_372 = arith.cmpi slt, %squeeze3A_371, %add3A_4 : i32
    %jit3A_373 = arith.constant 1 : i32
    %jit3A_374 = arith.constant 0 : i32
    %select_n3A_375 = arith.select %lt3A_372, %jit3A_373, %jit3A_374 : i32
    %add3A_376 = arith.addi %add3A_362, %select_n3A_375 : i32
    %slice3A_377 = vector.extract_strided_slice %get3A_12 {offsets = [10], sizes = [1], strides = [1]} : vector<16xi32> to vector<1xi32>
    %squeeze3A_378 = vector.extract %slice3A_377[0] : i32 from vector<1xi32>
    %le3A_379 = arith.cmpi sle, %squeeze3A_378, %mul3A_2 : i32
    %jit3A_380 = arith.constant 1 : i32
    %jit3A_381 = arith.constant 0 : i32
    %select_n3A_382 = arith.select %le3A_379, %jit3A_380, %jit3A_381 : i32
    %add3A_383 = arith.addi %add3A_369, %select_n3A_382 : i32
    %slice3A_384 = vector.extract_strided_slice %get3A_12 {offsets = [10], sizes = [1], strides = [1]} : vector<16xi32> to vector<1xi32>
    %squeeze3A_385 = vector.extract %slice3A_384[0] : i32 from vector<1xi32>
    %lt3A_386 = arith.cmpi slt, %squeeze3A_385, %add3A_4 : i32
    %jit3A_387 = arith.constant 1 : i32
    %jit3A_388 = arith.constant 0 : i32
    %select_n3A_389 = arith.select %lt3A_386, %jit3A_387, %jit3A_388 : i32
    %add3A_390 = arith.addi %add3A_376, %select_n3A_389 : i32
    %slice3A_391 = vector.extract_strided_slice %get3A_12 {offsets = [11], sizes = [1], strides = [1]} : vector<16xi32> to vector<1xi32>
    %squeeze3A_392 = vector.extract %slice3A_391[0] : i32 from vector<1xi32>
    %le3A_393 = arith.cmpi sle, %squeeze3A_392, %mul3A_2 : i32
    %jit3A_394 = arith.constant 1 : i32
    %jit3A_395 = arith.constant 0 : i32
    %select_n3A_396 = arith.select %le3A_393, %jit3A_394, %jit3A_395 : i32
    %add3A_397 = arith.addi %add3A_383, %select_n3A_396 : i32
    %slice3A_398 = vector.extract_strided_slice %get3A_12 {offsets = [11], sizes = [1], strides = [1]} : vector<16xi32> to vector<1xi32>
    %squeeze3A_399 = vector.extract %slice3A_398[0] : i32 from vector<1xi32>
    %lt3A_400 = arith.cmpi slt, %squeeze3A_399, %add3A_4 : i32
    %jit3A_401 = arith.constant 1 : i32
    %jit3A_402 = arith.constant 0 : i32
    %select_n3A_403 = arith.select %lt3A_400, %jit3A_401, %jit3A_402 : i32
    %add3A_404 = arith.addi %add3A_390, %select_n3A_403 : i32
    %slice3A_405 = vector.extract_strided_slice %get3A_12 {offsets = [12], sizes = [1], strides = [1]} : vector<16xi32> to vector<1xi32>
    %squeeze3A_406 = vector.extract %slice3A_405[0] : i32 from vector<1xi32>
    %le3A_407 = arith.cmpi sle, %squeeze3A_406, %mul3A_2 : i32
    %jit3A_408 = arith.constant 1 : i32
    %jit3A_409 = arith.constant 0 : i32
    %select_n3A_410 = arith.select %le3A_407, %jit3A_408, %jit3A_409 : i32
    %add3A_411 = arith.addi %add3A_397, %select_n3A_410 : i32
    %slice3A_412 = vector.extract_strided_slice %get3A_12 {offsets = [12], sizes = [1], strides = [1]} : vector<16xi32> to vector<1xi32>
    %squeeze3A_413 = vector.extract %slice3A_412[0] : i32 from vector<1xi32>
    %lt3A_414 = arith.cmpi slt, %squeeze3A_413, %add3A_4 : i32
    %jit3A_415 = arith.constant 1 : i32
    %jit3A_416 = arith.constant 0 : i32
    %select_n3A_417 = arith.select %lt3A_414, %jit3A_415, %jit3A_416 : i32
    %add3A_418 = arith.addi %add3A_404, %select_n3A_417 : i32
    %slice3A_419 = vector.extract_strided_slice %get3A_12 {offsets = [13], sizes = [1], strides = [1]} : vector<16xi32> to vector<1xi32>
    %squeeze3A_420 = vector.extract %slice3A_419[0] : i32 from vector<1xi32>
    %le3A_421 = arith.cmpi sle, %squeeze3A_420, %mul3A_2 : i32
    %jit3A_422 = arith.constant 1 : i32
    %jit3A_423 = arith.constant 0 : i32
    %select_n3A_424 = arith.select %le3A_421, %jit3A_422, %jit3A_423 : i32
    %add3A_425 = arith.addi %add3A_411, %select_n3A_424 : i32
    %slice3A_426 = vector.extract_strided_slice %get3A_12 {offsets = [13], sizes = [1], strides = [1]} : vector<16xi32> to vector<1xi32>
    %squeeze3A_427 = vector.extract %slice3A_426[0] : i32 from vector<1xi32>
    %lt3A_428 = arith.cmpi slt, %squeeze3A_427, %add3A_4 : i32
    %jit3A_429 = arith.constant 1 : i32
    %jit3A_430 = arith.constant 0 : i32
    %select_n3A_431 = arith.select %lt3A_428, %jit3A_429, %jit3A_430 : i32
    %add3A_432 = arith.addi %add3A_418, %select_n3A_431 : i32
    %slice3A_433 = vector.extract_strided_slice %get3A_12 {offsets = [14], sizes = [1], strides = [1]} : vector<16xi32> to vector<1xi32>
    %squeeze3A_434 = vector.extract %slice3A_433[0] : i32 from vector<1xi32>
    %le3A_435 = arith.cmpi sle, %squeeze3A_434, %mul3A_2 : i32
    %jit3A_436 = arith.constant 1 : i32
    %jit3A_437 = arith.constant 0 : i32
    %select_n3A_438 = arith.select %le3A_435, %jit3A_436, %jit3A_437 : i32
    %add3A_439 = arith.addi %add3A_425, %select_n3A_438 : i32
    %slice3A_440 = vector.extract_strided_slice %get3A_12 {offsets = [14], sizes = [1], strides = [1]} : vector<16xi32> to vector<1xi32>
    %squeeze3A_441 = vector.extract %slice3A_440[0] : i32 from vector<1xi32>
    %lt3A_442 = arith.cmpi slt, %squeeze3A_441, %add3A_4 : i32
    %jit3A_443 = arith.constant 1 : i32
    %jit3A_444 = arith.constant 0 : i32
    %select_n3A_445 = arith.select %lt3A_442, %jit3A_443, %jit3A_444 : i32
    %add3A_446 = arith.addi %add3A_432, %select_n3A_445 : i32
    %slice3A_447 = vector.extract_strided_slice %get3A_12 {offsets = [15], sizes = [1], strides = [1]} : vector<16xi32> to vector<1xi32>
    %squeeze3A_448 = vector.extract %slice3A_447[0] : i32 from vector<1xi32>
    %le3A_449 = arith.cmpi sle, %squeeze3A_448, %mul3A_2 : i32
    %jit3A_450 = arith.constant 1 : i32
    %jit3A_451 = arith.constant 0 : i32
    %select_n3A_452 = arith.select %le3A_449, %jit3A_450, %jit3A_451 : i32
    %add3A_453 = arith.addi %add3A_439, %select_n3A_452 : i32
    %min3A_454 = arith.constant 32 : i32
    %min3A_455 = arith.minsi %add3A_446, %min3A_454 : i32
    %min3A_456 = arith.minsi %add3A_453, %min3A_455 : i32
    %while3A = arith.constant 0 : i32
    %while3A_457 = arith.subi %min3A_455, %min3A_456 : i32
    %while3A_458 = arith.addi %min3A_456, %while3A_457 : i32
    %while3A_459 = arith.constant 1 : i32
    %while3A_460 = arith.divsi %while3A_457, %while3A_459 : i32
    %while3A_461 = arith.muli %while3A_460, %while3A_459 : i32
    %while3A_462 = arith.addi %min3A_456, %while3A_461 : i32
    %while3A_463 = arith.constant 1 : i32
    scf.for %while3A_532 = %min3A_456 to %while3A_462 step %while3A_463  : i32 {
      %mul3A_533 = arith.constant 592 : i32
      %mul3A_534 = arith.muli %while3A_532, %mul3A_533 : i32
      "tpu.region"() ({
        %run_scoped3A = tpu.sem_alloc : memref<!tpu.dma_semaphore, #tpu.memory_space<semaphore_mem>>
        %dma_start3A_545 = tpu.memref_slice %arg3[%mul3A_534] : memref<18944xi32, #tpu.memory_space<hbm>> -> memref<592xi32, #tpu.memory_space<hbm>>
        %dma_start3A_546 = tpu.memref_slice %arg3[%mul3A_534] : memref<18944xi32, #tpu.memory_space<hbm>> -> memref<592xi32, #tpu.memory_space<hbm>>
        tpu.enqueue_dma source(%dma_start3A_546 : memref<592xi32, #tpu.memory_space<hbm>>) target(%arg6 : memref<592xi32, #tpu.memory_space<vmem>>) target_semaphore(%run_scoped3A : memref<!tpu.dma_semaphore, #tpu.memory_space<semaphore_mem>>)
        %dma_wait3A_547 = tpu.memref_slice %arg3[%mul3A_534] : memref<18944xi32, #tpu.memory_space<hbm>> -> memref<592xi32, #tpu.memory_space<hbm>>
        %dma_wait3A_548 = tpu.memref_slice %arg3[%mul3A_534] : memref<18944xi32, #tpu.memory_space<hbm>> -> memref<592xi32, #tpu.memory_space<hbm>>
        tpu.wait_dma2 semaphore(%run_scoped3A : memref<!tpu.dma_semaphore, #tpu.memory_space<semaphore_mem>>) src(%dma_wait3A_548 : memref<592xi32, #tpu.memory_space<hbm>>) dst(%arg6 : memref<592xi32, #tpu.memory_space<vmem>>)
        tpu.yield
      }) : () -> ()
      %scan3A_535 = arith.constant 0 : i32
      %scan3A_536 = arith.constant 0 : i32
      %scan3A_537 = arith.constant 37 : i32
      %scan3A_538 = arith.addi %scan3A_536, %scan3A_537 : i32
      %scan3A_539 = arith.constant 1 : i32
      scf.for %scan3A_545 = %scan3A_536 to %scan3A_538 step %scan3A_539  : i32 {
        %mul3A_546 = arith.constant 16 : i32
        %mul3A_547 = arith.muli %scan3A_545, %mul3A_546 : i32
        %get3A_548 = arith.index_cast %mul3A_547 : i32 to index
        %get3A_549 = tpu.vector_load %arg6[%get3A_548] {strides = array<i32>} : memref<592xi32, #tpu.memory_space<vmem>>, vector<16xi32>,
        %get3A_550 = vector.shape_cast %get3A_549 : vector<16xi32> to vector<16xi32>
        %gt3A_551 = vector.broadcast %mul3A_2 : i32 to vector<16xi32>
        %gt3A_552 = arith.cmpi sgt, %get3A_550, %gt3A_551 : vector<16xi32>
        %le3A_553 = vector.broadcast %add3A_4 : i32 to vector<16xi32>
        %le3A_554 = arith.cmpi sle, %get3A_550, %le3A_553 : vector<16xi32>
        %and3A_555 = arith.andi %gt3A_552, %le3A_554 : vector<16xi1>
        %sub3A_556 = arith.constant 1 : i32
        %sub3A_557 = vector.broadcast %sub3A_556 : i32 to vector<16xi32>
        %sub3A_558 = arith.subi %get3A_550, %sub3A_557 : vector<16xi32>
        %sub3A_559 = vector.broadcast %mul3A_2 : i32 to vector<16xi32>
        %sub3A_560 = arith.subi %sub3A_558, %sub3A_559 : vector<16xi32>
        %mul3A_561 = arith.constant 16 : i32
        %mul3A_562 = arith.muli %scan3A_545, %mul3A_561 : i32
        %add3A_563 = vector.broadcast %mul3A_562 : i32 to vector<16xi32>
        %add3A_564 = arith.addi %add3A_563, %iota3A : vector<16xi32>
        %add3A_565 = arith.constant 592 : i32
        %add3A_566 = vector.broadcast %add3A_565 : i32 to vector<16xi32>
        %add3A_567 = arith.addi %add3A_566, %add3A_564 : vector<16xi32>
        %select_n3A_568 = arith.select %and3A_555, %sub3A_560, %add3A_567 : vector<16xi1>, vector<16xi32>
        %add3A_569 = vector.broadcast %mul3A_6 : i32 to vector<16xi32>
        %add3A_570 = arith.addi %add3A_569, %select_n3A_568 : vector<16xi32>
        %mul3A_571 = arith.constant 16 : i32
        %mul3A_572 = arith.muli %scan3A_545, %mul3A_571 : i32
        %swap3A = arith.index_cast %mul3A_572 : i32 to index
        %swap3A_573 = tpu.vector_load %arg8[%swap3A] {strides = array<i32>} : memref<592xi32, #tpu.memory_space<vmem>>, vector<16xi32>,
        %swap3A_574 = vector.shape_cast %swap3A_573 : vector<16xi32> to vector<16xi32>
        %swap3A_575 = vector.shape_cast %add3A_570 : vector<16xi32> to vector<16xi32>
        tpu.vector_store %arg8[%swap3A], %swap3A_575 {strides = array<i32>} : memref<592xi32, #tpu.memory_space<vmem>>, vector<16xi32>,
        %mul3A_576 = arith.constant 592 : i32
        %mul3A_577 = arith.muli %while3A_532, %mul3A_576 : i32
        %add3A_578 = vector.broadcast %mul3A_577 : i32 to vector<16xi32>
        %add3A_579 = arith.addi %add3A_578, %add3A_564 : vector<16xi32>
        %mul3A_580 = arith.constant 16 : i32
        %mul3A_581 = arith.muli %scan3A_545, %mul3A_580 : i32
        %swap3A_582 = arith.index_cast %mul3A_581 : i32 to index
        %swap3A_583 = tpu.vector_load %arg9[%swap3A_582] {strides = array<i32>} : memref<592xi32, #tpu.memory_space<vmem>>, vector<16xi32>,
        %swap3A_584 = vector.shape_cast %swap3A_583 : vector<16xi32> to vector<16xi32>
        %swap3A_585 = vector.shape_cast %add3A_579 : vector<16xi32> to vector<16xi32>
        tpu.vector_store %arg9[%swap3A_582], %swap3A_585 {strides = array<i32>} : memref<592xi32, #tpu.memory_space<vmem>>, vector<16xi32>,
      }
      %scan3A_540 = arith.constant 37 : i32
      %dma_start3A_541 = arith.constant 0 : i32
      %dma_start3A_542 = tpu.memref_slice %arg15[%dma_start3A_541] : memref<56832xi32, #tpu.memory_space<vmem_shared>> -> memref<56832xi32, #tpu.memory_space<vmem_shared>>
      tpu.enqueue_indirect_dma source(%arg9 : memref<592xi32, #tpu.memory_space<vmem>>) target(%dma_start3A_542 : memref<56832xi32, #tpu.memory_space<vmem_shared>>) offsets(%arg8 : memref<592xi32, #tpu.memory_space<vmem>>) semaphore(%arg16 : memref<!tpu.dma_semaphore, #tpu.memory_space<semaphore_mem>>)
      %dma_wait3A_543 = arith.constant 0 : i32
      %dma_wait3A_544 = tpu.memref_slice %arg15[%dma_wait3A_543] : memref<56832xi32, #tpu.memory_space<vmem_shared>> -> memref<56832xi32, #tpu.memory_space<vmem_shared>>
      tpu.wait_indirect_dma semaphore(%arg16 : memref<!tpu.dma_semaphore, #tpu.memory_space<semaphore_mem>>) src(%arg9 : memref<592xi32, #tpu.memory_space<vmem>>) dst(%dma_wait3A_544 : memref<56832xi32, #tpu.memory_space<vmem_shared>>)
    }
    %while3A_464 = arith.constant 1 : i32
    scf.for %while3A_532 = %while3A_462 to %while3A_458 step %while3A_464  : i32 {
      %mul3A_533 = arith.constant 592 : i32
      %mul3A_534 = arith.muli %while3A_532, %mul3A_533 : i32
      "tpu.region"() ({
        %run_scoped3A = tpu.sem_alloc : memref<!tpu.dma_semaphore, #tpu.memory_space<semaphore_mem>>
        %dma_start3A_545 = tpu.memref_slice %arg3[%mul3A_534] : memref<18944xi32, #tpu.memory_space<hbm>> -> memref<592xi32, #tpu.memory_space<hbm>>
        %dma_start3A_546 = tpu.memref_slice %arg3[%mul3A_534] : memref<18944xi32, #tpu.memory_space<hbm>> -> memref<592xi32, #tpu.memory_space<hbm>>
        tpu.enqueue_dma source(%dma_start3A_546 : memref<592xi32, #tpu.memory_space<hbm>>) target(%arg6 : memref<592xi32, #tpu.memory_space<vmem>>) target_semaphore(%run_scoped3A : memref<!tpu.dma_semaphore, #tpu.memory_space<semaphore_mem>>)
        %dma_wait3A_547 = tpu.memref_slice %arg3[%mul3A_534] : memref<18944xi32, #tpu.memory_space<hbm>> -> memref<592xi32, #tpu.memory_space<hbm>>
        %dma_wait3A_548 = tpu.memref_slice %arg3[%mul3A_534] : memref<18944xi32, #tpu.memory_space<hbm>> -> memref<592xi32, #tpu.memory_space<hbm>>
        tpu.wait_dma2 semaphore(%run_scoped3A : memref<!tpu.dma_semaphore, #tpu.memory_space<semaphore_mem>>) src(%dma_wait3A_548 : memref<592xi32, #tpu.memory_space<hbm>>) dst(%arg6 : memref<592xi32, #tpu.memory_space<vmem>>)
        tpu.yield
      }) : () -> ()
      %scan3A_535 = arith.constant 0 : i32
      %scan3A_536 = arith.constant 0 : i32
      %scan3A_537 = arith.constant 37 : i32
      %scan3A_538 = arith.addi %scan3A_536, %scan3A_537 : i32
      %scan3A_539 = arith.constant 1 : i32
      scf.for %scan3A_545 = %scan3A_536 to %scan3A_538 step %scan3A_539  : i32 {
        %mul3A_546 = arith.constant 16 : i32
        %mul3A_547 = arith.muli %scan3A_545, %mul3A_546 : i32
        %get3A_548 = arith.index_cast %mul3A_547 : i32 to index
        %get3A_549 = tpu.vector_load %arg6[%get3A_548] {strides = array<i32>} : memref<592xi32, #tpu.memory_space<vmem>>, vector<16xi32>,
        %get3A_550 = vector.shape_cast %get3A_549 : vector<16xi32> to vector<16xi32>
        %gt3A_551 = vector.broadcast %mul3A_2 : i32 to vector<16xi32>
        %gt3A_552 = arith.cmpi sgt, %get3A_550, %gt3A_551 : vector<16xi32>
        %le3A_553 = vector.broadcast %add3A_4 : i32 to vector<16xi32>
        %le3A_554 = arith.cmpi sle, %get3A_550, %le3A_553 : vector<16xi32>
        %and3A_555 = arith.andi %gt3A_552, %le3A_554 : vector<16xi1>
        %sub3A_556 = arith.constant 1 : i32
        %sub3A_557 = vector.broadcast %sub3A_556 : i32 to vector<16xi32>
        %sub3A_558 = arith.subi %get3A_550, %sub3A_557 : vector<16xi32>
        %sub3A_559 = vector.broadcast %mul3A_2 : i32 to vector<16xi32>
        %sub3A_560 = arith.subi %sub3A_558, %sub3A_559 : vector<16xi32>
        %mul3A_561 = arith.constant 16 : i32
        %mul3A_562 = arith.muli %scan3A_545, %mul3A_561 : i32
        %add3A_563 = vector.broadcast %mul3A_562 : i32 to vector<16xi32>
        %add3A_564 = arith.addi %add3A_563, %iota3A : vector<16xi32>
        %add3A_565 = arith.constant 592 : i32
        %add3A_566 = vector.broadcast %add3A_565 : i32 to vector<16xi32>
        %add3A_567 = arith.addi %add3A_566, %add3A_564 : vector<16xi32>
        %select_n3A_568 = arith.select %and3A_555, %sub3A_560, %add3A_567 : vector<16xi1>, vector<16xi32>
        %add3A_569 = vector.broadcast %mul3A_6 : i32 to vector<16xi32>
        %add3A_570 = arith.addi %add3A_569, %select_n3A_568 : vector<16xi32>
        %mul3A_571 = arith.constant 16 : i32
        %mul3A_572 = arith.muli %scan3A_545, %mul3A_571 : i32
        %swap3A = arith.index_cast %mul3A_572 : i32 to index
        %swap3A_573 = tpu.vector_load %arg8[%swap3A] {strides = array<i32>} : memref<592xi32, #tpu.memory_space<vmem>>, vector<16xi32>,
        %swap3A_574 = vector.shape_cast %swap3A_573 : vector<16xi32> to vector<16xi32>
        %swap3A_575 = vector.shape_cast %add3A_570 : vector<16xi32> to vector<16xi32>
        tpu.vector_store %arg8[%swap3A], %swap3A_575 {strides = array<i32>} : memref<592xi32, #tpu.memory_space<vmem>>, vector<16xi32>,
        %mul3A_576 = arith.constant 592 : i32
        %mul3A_577 = arith.muli %while3A_532, %mul3A_576 : i32
        %add3A_578 = vector.broadcast %mul3A_577 : i32 to vector<16xi32>
        %add3A_579 = arith.addi %add3A_578, %add3A_564 : vector<16xi32>
        %mul3A_580 = arith.constant 16 : i32
        %mul3A_581 = arith.muli %scan3A_545, %mul3A_580 : i32
        %swap3A_582 = arith.index_cast %mul3A_581 : i32 to index
        %swap3A_583 = tpu.vector_load %arg9[%swap3A_582] {strides = array<i32>} : memref<592xi32, #tpu.memory_space<vmem>>, vector<16xi32>,
        %swap3A_584 = vector.shape_cast %swap3A_583 : vector<16xi32> to vector<16xi32>
        %swap3A_585 = vector.shape_cast %add3A_579 : vector<16xi32> to vector<16xi32>
        tpu.vector_store %arg9[%swap3A_582], %swap3A_585 {strides = array<i32>} : memref<592xi32, #tpu.memory_space<vmem>>, vector<16xi32>,
      }
      %scan3A_540 = arith.constant 37 : i32
      %dma_start3A_541 = arith.constant 0 : i32
      %dma_start3A_542 = tpu.memref_slice %arg15[%dma_start3A_541] : memref<56832xi32, #tpu.memory_space<vmem_shared>> -> memref<56832xi32, #tpu.memory_space<vmem_shared>>
      tpu.enqueue_indirect_dma source(%arg9 : memref<592xi32, #tpu.memory_space<vmem>>) target(%dma_start3A_542 : memref<56832xi32, #tpu.memory_space<vmem_shared>>) offsets(%arg8 : memref<592xi32, #tpu.memory_space<vmem>>) semaphore(%arg16 : memref<!tpu.dma_semaphore, #tpu.memory_space<semaphore_mem>>)
      %dma_wait3A_543 = arith.constant 0 : i32
      %dma_wait3A_544 = tpu.memref_slice %arg15[%dma_wait3A_543] : memref<56832xi32, #tpu.memory_space<vmem_shared>> -> memref<56832xi32, #tpu.memory_space<vmem_shared>>
      tpu.wait_indirect_dma semaphore(%arg16 : memref<!tpu.dma_semaphore, #tpu.memory_space<semaphore_mem>>) src(%arg9 : memref<592xi32, #tpu.memory_space<vmem>>) dst(%dma_wait3A_544 : memref<56832xi32, #tpu.memory_space<vmem_shared>>)
    }
    "tpu.region"() ({
      %run_scoped3A = tpu.sem_alloc : memref<!tpu.dma_semaphore, #tpu.memory_space<semaphore_mem>>
      %dma_start3A_532 = tpu.memref_slice %arg15[%mul3A_6] : memref<56832xi32, #tpu.memory_space<vmem_shared>> -> memref<592xi32, #tpu.memory_space<vmem_shared>>
      %dma_start3A_533 = tpu.memref_slice %arg15[%mul3A_6] : memref<56832xi32, #tpu.memory_space<vmem_shared>> -> memref<592xi32, #tpu.memory_space<vmem_shared>>
      tpu.enqueue_dma source(%dma_start3A_533 : memref<592xi32, #tpu.memory_space<vmem_shared>>) target(%arg10 : memref<592xi32, #tpu.memory_space<vmem>>) target_semaphore(%run_scoped3A : memref<!tpu.dma_semaphore, #tpu.memory_space<semaphore_mem>>)
      %dma_wait3A_534 = tpu.memref_slice %arg15[%mul3A_6] : memref<56832xi32, #tpu.memory_space<vmem_shared>> -> memref<592xi32, #tpu.memory_space<vmem_shared>>
      %dma_wait3A_535 = tpu.memref_slice %arg15[%mul3A_6] : memref<56832xi32, #tpu.memory_space<vmem_shared>> -> memref<592xi32, #tpu.memory_space<vmem_shared>>
      tpu.wait_dma2 semaphore(%run_scoped3A : memref<!tpu.dma_semaphore, #tpu.memory_space<semaphore_mem>>) src(%dma_wait3A_535 : memref<592xi32, #tpu.memory_space<vmem_shared>>) dst(%arg10 : memref<592xi32, #tpu.memory_space<vmem>>)
      tpu.yield
    }) : () -> ()
    %scan3A = arith.constant 0 : i32
    %scan3A_465 = arith.constant 0 : i32
    %scan3A_466 = arith.constant 37 : i32
    %scan3A_467 = arith.addi %scan3A_465, %scan3A_466 : i32
    %scan3A_468 = arith.constant 1 : i32
    scf.for %scan3A_532 = %scan3A_465 to %scan3A_467 step %scan3A_468  : i32 {
      %mul3A_533 = arith.constant 16 : i32
      %mul3A_534 = arith.muli %scan3A_532, %mul3A_533 : i32
      %get3A_535 = arith.index_cast %mul3A_534 : i32 to index
      %get3A_536 = tpu.vector_load %arg10[%get3A_535] {strides = array<i32>} : memref<592xi32, #tpu.memory_space<vmem>>, vector<16xi32>,
      %get3A_537 = vector.shape_cast %get3A_536 : vector<16xi32> to vector<16xi32>
      %mul3A_538 = arith.constant 16 : i32
      %mul3A_539 = arith.muli %scan3A_532, %mul3A_538 : i32
      %add3A_540 = vector.broadcast %mul3A_539 : i32 to vector<16xi32>
      %add3A_541 = arith.addi %add3A_540, %iota3A : vector<16xi32>
      %lt3A_542 = vector.broadcast %min3A : i32 to vector<16xi32>
      %lt3A_543 = arith.cmpi slt, %add3A_541, %lt3A_542 : vector<16xi32>
      %jit3A_544 = arith.constant 0 : i32
      %jit3A_545 = arith.constant 18749 : i32
      %max3A_546 = vector.broadcast %jit3A_544 : i32 to vector<16xi32>
      %max3A_547 = arith.maxsi %max3A_546, %get3A_537 : vector<16xi32>
      %min3A_548 = vector.broadcast %jit3A_545 : i32 to vector<16xi32>
      %min3A_549 = arith.minsi %min3A_548, %max3A_547 : vector<16xi32>
      %jit3A_550 = arith.constant 0 : i32
      %broadcast_in_dim3A_551 = vector.broadcast %jit3A_550 : i32 to vector<16xi32>
      %select_n3A_552 = arith.select %lt3A_543, %min3A_549, %broadcast_in_dim3A_551 : vector<16xi1>, vector<16xi32>
      %add3A_553 = arith.constant 1184 : i32
      %add3A_554 = arith.addi %mul3A_6, %add3A_553 : i32
      %mul3A_555 = arith.constant 4 : i32
      %mul3A_556 = vector.broadcast %mul3A_555 : i32 to vector<16xi32>
      %mul3A_557 = arith.muli %mul3A_556, %add3A_541 : vector<16xi32>
      %add3A_558 = vector.broadcast %add3A_554 : i32 to vector<16xi32>
      %add3A_559 = arith.addi %add3A_558, %mul3A_557 : vector<16xi32>
      %add3A_560 = arith.constant 0 : i32
      %add3A_561 = vector.broadcast %add3A_560 : i32 to vector<16xi32>
      %add3A_562 = arith.addi %add3A_559, %add3A_561 : vector<16xi32>
      %mul3A_563 = arith.constant 16 : i32
      %mul3A_564 = arith.muli %scan3A_532, %mul3A_563 : i32
      %swap3A = arith.index_cast %mul3A_564 : i32 to index
      %swap3A_565 = tpu.vector_load %arg8[%swap3A] {strides = array<i32>} : memref<592xi32, #tpu.memory_space<vmem>>, vector<16xi32>,
      %swap3A_566 = vector.shape_cast %swap3A_565 : vector<16xi32> to vector<16xi32>
      %swap3A_567 = vector.shape_cast %add3A_562 : vector<16xi32> to vector<16xi32>
      tpu.vector_store %arg8[%swap3A], %swap3A_567 {strides = array<i32>} : memref<592xi32, #tpu.memory_space<vmem>>, vector<16xi32>,
      %mul3A_568 = arith.constant 4 : i32
      %mul3A_569 = vector.broadcast %mul3A_568 : i32 to vector<16xi32>
      %mul3A_570 = arith.muli %mul3A_569, %select_n3A_552 : vector<16xi32>
      %add3A_571 = arith.constant 0 : i32
      %add3A_572 = vector.broadcast %add3A_571 : i32 to vector<16xi32>
      %add3A_573 = arith.addi %mul3A_570, %add3A_572 : vector<16xi32>
      %mul3A_574 = arith.constant 16 : i32
      %mul3A_575 = arith.muli %scan3A_532, %mul3A_574 : i32
      %swap3A_576 = arith.index_cast %mul3A_575 : i32 to index
      %swap3A_577 = tpu.vector_load %arg9[%swap3A_576] {strides = array<i32>} : memref<592xi32, #tpu.memory_space<vmem>>, vector<16xi32>,
      %swap3A_578 = vector.shape_cast %swap3A_577 : vector<16xi32> to vector<16xi32>
      %swap3A_579 = vector.shape_cast %add3A_573 : vector<16xi32> to vector<16xi32>
      tpu.vector_store %arg9[%swap3A_576], %swap3A_579 {strides = array<i32>} : memref<592xi32, #tpu.memory_space<vmem>>, vector<16xi32>,
    }
    %scan3A_469 = arith.constant 37 : i32
    %dma_start3A = arith.constant 0 : i32
    %dma_start3A_470 = tpu.memref_slice %arg15[%dma_start3A] : memref<56832xi32, #tpu.memory_space<vmem_shared>> -> memref<56832xi32, #tpu.memory_space<vmem_shared>>
    tpu.enqueue_indirect_dma source(%arg9 : memref<592xi32, #tpu.memory_space<vmem>>) target(%dma_start3A_470 : memref<56832xi32, #tpu.memory_space<vmem_shared>>) offsets(%arg8 : memref<592xi32, #tpu.memory_space<vmem>>) semaphore(%arg16 : memref<!tpu.dma_semaphore, #tpu.memory_space<semaphore_mem>>)
    %dma_wait3A = arith.constant 0 : i32
    %dma_wait3A_471 = tpu.memref_slice %arg15[%dma_wait3A] : memref<56832xi32, #tpu.memory_space<vmem_shared>> -> memref<56832xi32, #tpu.memory_space<vmem_shared>>
    tpu.wait_indirect_dma semaphore(%arg16 : memref<!tpu.dma_semaphore, #tpu.memory_space<semaphore_mem>>) src(%arg9 : memref<592xi32, #tpu.memory_space<vmem>>) dst(%dma_wait3A_471 : memref<56832xi32, #tpu.memory_space<vmem_shared>>)
    %scan3A_472 = arith.constant 0 : i32
    %scan3A_473 = arith.constant 0 : i32
    %scan3A_474 = arith.constant 37 : i32
    %scan3A_475 = arith.addi %scan3A_473, %scan3A_474 : i32
    %scan3A_476 = arith.constant 1 : i32
    scf.for %scan3A_532 = %scan3A_473 to %scan3A_475 step %scan3A_476  : i32 {
      %mul3A_533 = arith.constant 16 : i32
      %mul3A_534 = arith.muli %scan3A_532, %mul3A_533 : i32
      %get3A_535 = arith.index_cast %mul3A_534 : i32 to index
      %get3A_536 = tpu.vector_load %arg10[%get3A_535] {strides = array<i32>} : memref<592xi32, #tpu.memory_space<vmem>>, vector<16xi32>,
      %get3A_537 = vector.shape_cast %get3A_536 : vector<16xi32> to vector<16xi32>
      %mul3A_538 = arith.constant 16 : i32
      %mul3A_539 = arith.muli %scan3A_532, %mul3A_538 : i32
      %add3A_540 = vector.broadcast %mul3A_539 : i32 to vector<16xi32>
      %add3A_541 = arith.addi %add3A_540, %iota3A : vector<16xi32>
      %lt3A_542 = vector.broadcast %min3A : i32 to vector<16xi32>
      %lt3A_543 = arith.cmpi slt, %add3A_541, %lt3A_542 : vector<16xi32>
      %jit3A_544 = arith.constant 0 : i32
      %jit3A_545 = arith.constant 18749 : i32
      %max3A_546 = vector.broadcast %jit3A_544 : i32 to vector<16xi32>
      %max3A_547 = arith.maxsi %max3A_546, %get3A_537 : vector<16xi32>
      %min3A_548 = vector.broadcast %jit3A_545 : i32 to vector<16xi32>
      %min3A_549 = arith.minsi %min3A_548, %max3A_547 : vector<16xi32>
      %jit3A_550 = arith.constant 0 : i32
      %broadcast_in_dim3A_551 = vector.broadcast %jit3A_550 : i32 to vector<16xi32>
      %select_n3A_552 = arith.select %lt3A_543, %min3A_549, %broadcast_in_dim3A_551 : vector<16xi1>, vector<16xi32>
      %add3A_553 = arith.constant 1184 : i32
      %add3A_554 = arith.addi %mul3A_6, %add3A_553 : i32
      %mul3A_555 = arith.constant 4 : i32
      %mul3A_556 = vector.broadcast %mul3A_555 : i32 to vector<16xi32>
      %mul3A_557 = arith.muli %mul3A_556, %add3A_541 : vector<16xi32>
      %add3A_558 = vector.broadcast %add3A_554 : i32 to vector<16xi32>
      %add3A_559 = arith.addi %add3A_558, %mul3A_557 : vector<16xi32>
      %add3A_560 = arith.constant 1 : i32
      %add3A_561 = vector.broadcast %add3A_560 : i32 to vector<16xi32>
      %add3A_562 = arith.addi %add3A_559, %add3A_561 : vector<16xi32>
      %mul3A_563 = arith.constant 16 : i32
      %mul3A_564 = arith.muli %scan3A_532, %mul3A_563 : i32
      %swap3A = arith.index_cast %mul3A_564 : i32 to index
      %swap3A_565 = tpu.vector_load %arg8[%swap3A] {strides = array<i32>} : memref<592xi32, #tpu.memory_space<vmem>>, vector<16xi32>,
      %swap3A_566 = vector.shape_cast %swap3A_565 : vector<16xi32> to vector<16xi32>
      %swap3A_567 = vector.shape_cast %add3A_562 : vector<16xi32> to vector<16xi32>
      tpu.vector_store %arg8[%swap3A], %swap3A_567 {strides = array<i32>} : memref<592xi32, #tpu.memory_space<vmem>>, vector<16xi32>,
      %mul3A_568 = arith.constant 4 : i32
      %mul3A_569 = vector.broadcast %mul3A_568 : i32 to vector<16xi32>
      %mul3A_570 = arith.muli %mul3A_569, %select_n3A_552 : vector<16xi32>
      %add3A_571 = arith.constant 1 : i32
      %add3A_572 = vector.broadcast %add3A_571 : i32 to vector<16xi32>
      %add3A_573 = arith.addi %mul3A_570, %add3A_572 : vector<16xi32>
      %mul3A_574 = arith.constant 16 : i32
      %mul3A_575 = arith.muli %scan3A_532, %mul3A_574 : i32
      %swap3A_576 = arith.index_cast %mul3A_575 : i32 to index
      %swap3A_577 = tpu.vector_load %arg9[%swap3A_576] {strides = array<i32>} : memref<592xi32, #tpu.memory_space<vmem>>, vector<16xi32>,
      %swap3A_578 = vector.shape_cast %swap3A_577 : vector<16xi32> to vector<16xi32>
      %swap3A_579 = vector.shape_cast %add3A_573 : vector<16xi32> to vector<16xi32>
      tpu.vector_store %arg9[%swap3A_576], %swap3A_579 {strides = array<i32>} : memref<592xi32, #tpu.memory_space<vmem>>, vector<16xi32>,
    }
    %scan3A_477 = arith.constant 37 : i32
    %dma_start3A_478 = arith.constant 0 : i32
    %dma_start3A_479 = tpu.memref_slice %arg15[%dma_start3A_478] : memref<56832xi32, #tpu.memory_space<vmem_shared>> -> memref<56832xi32, #tpu.memory_space<vmem_shared>>
    tpu.enqueue_indirect_dma source(%arg9 : memref<592xi32, #tpu.memory_space<vmem>>) target(%dma_start3A_479 : memref<56832xi32, #tpu.memory_space<vmem_shared>>) offsets(%arg8 : memref<592xi32, #tpu.memory_space<vmem>>) semaphore(%arg16 : memref<!tpu.dma_semaphore, #tpu.memory_space<semaphore_mem>>)
    %dma_wait3A_480 = arith.constant 0 : i32
    %dma_wait3A_481 = tpu.memref_slice %arg15[%dma_wait3A_480] : memref<56832xi32, #tpu.memory_space<vmem_shared>> -> memref<56832xi32, #tpu.memory_space<vmem_shared>>
    tpu.wait_indirect_dma semaphore(%arg16 : memref<!tpu.dma_semaphore, #tpu.memory_space<semaphore_mem>>) src(%arg9 : memref<592xi32, #tpu.memory_space<vmem>>) dst(%dma_wait3A_481 : memref<56832xi32, #tpu.memory_space<vmem_shared>>)
    %scan3A_482 = arith.constant 0 : i32
    %scan3A_483 = arith.constant 0 : i32
    %scan3A_484 = arith.constant 37 : i32
    %scan3A_485 = arith.addi %scan3A_483, %scan3A_484 : i32
    %scan3A_486 = arith.constant 1 : i32
    scf.for %scan3A_532 = %scan3A_483 to %scan3A_485 step %scan3A_486  : i32 {
      %mul3A_533 = arith.constant 16 : i32
      %mul3A_534 = arith.muli %scan3A_532, %mul3A_533 : i32
      %get3A_535 = arith.index_cast %mul3A_534 : i32 to index
      %get3A_536 = tpu.vector_load %arg10[%get3A_535] {strides = array<i32>} : memref<592xi32, #tpu.memory_space<vmem>>, vector<16xi32>,
      %get3A_537 = vector.shape_cast %get3A_536 : vector<16xi32> to vector<16xi32>
      %mul3A_538 = arith.constant 16 : i32
      %mul3A_539 = arith.muli %scan3A_532, %mul3A_538 : i32
      %add3A_540 = vector.broadcast %mul3A_539 : i32 to vector<16xi32>
      %add3A_541 = arith.addi %add3A_540, %iota3A : vector<16xi32>
      %lt3A_542 = vector.broadcast %min3A : i32 to vector<16xi32>
      %lt3A_543 = arith.cmpi slt, %add3A_541, %lt3A_542 : vector<16xi32>
      %jit3A_544 = arith.constant 0 : i32
      %jit3A_545 = arith.constant 18749 : i32
      %max3A_546 = vector.broadcast %jit3A_544 : i32 to vector<16xi32>
      %max3A_547 = arith.maxsi %max3A_546, %get3A_537 : vector<16xi32>
      %min3A_548 = vector.broadcast %jit3A_545 : i32 to vector<16xi32>
      %min3A_549 = arith.minsi %min3A_548, %max3A_547 : vector<16xi32>
      %jit3A_550 = arith.constant 0 : i32
      %broadcast_in_dim3A_551 = vector.broadcast %jit3A_550 : i32 to vector<16xi32>
      %select_n3A_552 = arith.select %lt3A_543, %min3A_549, %broadcast_in_dim3A_551 : vector<16xi1>, vector<16xi32>
      %add3A_553 = arith.constant 1184 : i32
      %add3A_554 = arith.addi %mul3A_6, %add3A_553 : i32
      %mul3A_555 = arith.constant 4 : i32
      %mul3A_556 = vector.broadcast %mul3A_555 : i32 to vector<16xi32>
      %mul3A_557 = arith.muli %mul3A_556, %add3A_541 : vector<16xi32>
      %add3A_558 = vector.broadcast %add3A_554 : i32 to vector<16xi32>
      %add3A_559 = arith.addi %add3A_558, %mul3A_557 : vector<16xi32>
      %add3A_560 = arith.constant 2 : i32
      %add3A_561 = vector.broadcast %add3A_560 : i32 to vector<16xi32>
      %add3A_562 = arith.addi %add3A_559, %add3A_561 : vector<16xi32>
      %mul3A_563 = arith.constant 16 : i32
      %mul3A_564 = arith.muli %scan3A_532, %mul3A_563 : i32
      %swap3A = arith.index_cast %mul3A_564 : i32 to index
      %swap3A_565 = tpu.vector_load %arg8[%swap3A] {strides = array<i32>} : memref<592xi32, #tpu.memory_space<vmem>>, vector<16xi32>,
      %swap3A_566 = vector.shape_cast %swap3A_565 : vector<16xi32> to vector<16xi32>
      %swap3A_567 = vector.shape_cast %add3A_562 : vector<16xi32> to vector<16xi32>
      tpu.vector_store %arg8[%swap3A], %swap3A_567 {strides = array<i32>} : memref<592xi32, #tpu.memory_space<vmem>>, vector<16xi32>,
      %mul3A_568 = arith.constant 4 : i32
      %mul3A_569 = vector.broadcast %mul3A_568 : i32 to vector<16xi32>
      %mul3A_570 = arith.muli %mul3A_569, %select_n3A_552 : vector<16xi32>
      %add3A_571 = arith.constant 2 : i32
      %add3A_572 = vector.broadcast %add3A_571 : i32 to vector<16xi32>
      %add3A_573 = arith.addi %mul3A_570, %add3A_572 : vector<16xi32>
      %mul3A_574 = arith.constant 16 : i32
      %mul3A_575 = arith.muli %scan3A_532, %mul3A_574 : i32
      %swap3A_576 = arith.index_cast %mul3A_575 : i32 to index
      %swap3A_577 = tpu.vector_load %arg9[%swap3A_576] {strides = array<i32>} : memref<592xi32, #tpu.memory_space<vmem>>, vector<16xi32>,
      %swap3A_578 = vector.shape_cast %swap3A_577 : vector<16xi32> to vector<16xi32>
      %swap3A_579 = vector.shape_cast %add3A_573 : vector<16xi32> to vector<16xi32>
      tpu.vector_store %arg9[%swap3A_576], %swap3A_579 {strides = array<i32>} : memref<592xi32, #tpu.memory_space<vmem>>, vector<16xi32>,
    }
    %scan3A_487 = arith.constant 37 : i32
    %dma_start3A_488 = arith.constant 0 : i32
    %dma_start3A_489 = tpu.memref_slice %arg15[%dma_start3A_488] : memref<56832xi32, #tpu.memory_space<vmem_shared>> -> memref<56832xi32, #tpu.memory_space<vmem_shared>>
    tpu.enqueue_indirect_dma source(%arg9 : memref<592xi32, #tpu.memory_space<vmem>>) target(%dma_start3A_489 : memref<56832xi32, #tpu.memory_space<vmem_shared>>) offsets(%arg8 : memref<592xi32, #tpu.memory_space<vmem>>) semaphore(%arg16 : memref<!tpu.dma_semaphore, #tpu.memory_space<semaphore_mem>>)
    %dma_wait3A_490 = arith.constant 0 : i32
    %dma_wait3A_491 = tpu.memref_slice %arg15[%dma_wait3A_490] : memref<56832xi32, #tpu.memory_space<vmem_shared>> -> memref<56832xi32, #tpu.memory_space<vmem_shared>>
    tpu.wait_indirect_dma semaphore(%arg16 : memref<!tpu.dma_semaphore, #tpu.memory_space<semaphore_mem>>) src(%arg9 : memref<592xi32, #tpu.memory_space<vmem>>) dst(%dma_wait3A_491 : memref<56832xi32, #tpu.memory_space<vmem_shared>>)
    %scan3A_492 = arith.constant 0 : i32
    %scan3A_493 = arith.constant 0 : i32
    %scan3A_494 = arith.constant 37 : i32
    %scan3A_495 = arith.addi %scan3A_493, %scan3A_494 : i32
    %scan3A_496 = arith.constant 1 : i32
    scf.for %scan3A_532 = %scan3A_493 to %scan3A_495 step %scan3A_496  : i32 {
      %mul3A_533 = arith.constant 16 : i32
      %mul3A_534 = arith.muli %scan3A_532, %mul3A_533 : i32
      %get3A_535 = arith.index_cast %mul3A_534 : i32 to index
      %get3A_536 = tpu.vector_load %arg10[%get3A_535] {strides = array<i32>} : memref<592xi32, #tpu.memory_space<vmem>>, vector<16xi32>,
      %get3A_537 = vector.shape_cast %get3A_536 : vector<16xi32> to vector<16xi32>
      %mul3A_538 = arith.constant 16 : i32
      %mul3A_539 = arith.muli %scan3A_532, %mul3A_538 : i32
      %add3A_540 = vector.broadcast %mul3A_539 : i32 to vector<16xi32>
      %add3A_541 = arith.addi %add3A_540, %iota3A : vector<16xi32>
      %lt3A_542 = vector.broadcast %min3A : i32 to vector<16xi32>
      %lt3A_543 = arith.cmpi slt, %add3A_541, %lt3A_542 : vector<16xi32>
      %jit3A_544 = arith.constant 0 : i32
      %jit3A_545 = arith.constant 18749 : i32
      %max3A_546 = vector.broadcast %jit3A_544 : i32 to vector<16xi32>
      %max3A_547 = arith.maxsi %max3A_546, %get3A_537 : vector<16xi32>
      %min3A_548 = vector.broadcast %jit3A_545 : i32 to vector<16xi32>
      %min3A_549 = arith.minsi %min3A_548, %max3A_547 : vector<16xi32>
      %jit3A_550 = arith.constant 0 : i32
      %broadcast_in_dim3A_551 = vector.broadcast %jit3A_550 : i32 to vector<16xi32>
      %select_n3A_552 = arith.select %lt3A_543, %min3A_549, %broadcast_in_dim3A_551 : vector<16xi1>, vector<16xi32>
      %add3A_553 = arith.constant 1184 : i32
      %add3A_554 = arith.addi %mul3A_6, %add3A_553 : i32
      %mul3A_555 = arith.constant 4 : i32
      %mul3A_556 = vector.broadcast %mul3A_555 : i32 to vector<16xi32>
      %mul3A_557 = arith.muli %mul3A_556, %add3A_541 : vector<16xi32>
      %add3A_558 = vector.broadcast %add3A_554 : i32 to vector<16xi32>
      %add3A_559 = arith.addi %add3A_558, %mul3A_557 : vector<16xi32>
      %add3A_560 = arith.constant 3 : i32
      %add3A_561 = vector.broadcast %add3A_560 : i32 to vector<16xi32>
      %add3A_562 = arith.addi %add3A_559, %add3A_561 : vector<16xi32>
      %mul3A_563 = arith.constant 16 : i32
      %mul3A_564 = arith.muli %scan3A_532, %mul3A_563 : i32
      %swap3A = arith.index_cast %mul3A_564 : i32 to index
      %swap3A_565 = tpu.vector_load %arg8[%swap3A] {strides = array<i32>} : memref<592xi32, #tpu.memory_space<vmem>>, vector<16xi32>,
      %swap3A_566 = vector.shape_cast %swap3A_565 : vector<16xi32> to vector<16xi32>
      %swap3A_567 = vector.shape_cast %add3A_562 : vector<16xi32> to vector<16xi32>
      tpu.vector_store %arg8[%swap3A], %swap3A_567 {strides = array<i32>} : memref<592xi32, #tpu.memory_space<vmem>>, vector<16xi32>,
      %mul3A_568 = arith.constant 4 : i32
      %mul3A_569 = vector.broadcast %mul3A_568 : i32 to vector<16xi32>
      %mul3A_570 = arith.muli %mul3A_569, %select_n3A_552 : vector<16xi32>
      %add3A_571 = arith.constant 3 : i32
      %add3A_572 = vector.broadcast %add3A_571 : i32 to vector<16xi32>
      %add3A_573 = arith.addi %mul3A_570, %add3A_572 : vector<16xi32>
      %mul3A_574 = arith.constant 16 : i32
      %mul3A_575 = arith.muli %scan3A_532, %mul3A_574 : i32
      %swap3A_576 = arith.index_cast %mul3A_575 : i32 to index
      %swap3A_577 = tpu.vector_load %arg9[%swap3A_576] {strides = array<i32>} : memref<592xi32, #tpu.memory_space<vmem>>, vector<16xi32>,
      %swap3A_578 = vector.shape_cast %swap3A_577 : vector<16xi32> to vector<16xi32>
      %swap3A_579 = vector.shape_cast %add3A_573 : vector<16xi32> to vector<16xi32>
      tpu.vector_store %arg9[%swap3A_576], %swap3A_579 {strides = array<i32>} : memref<592xi32, #tpu.memory_space<vmem>>, vector<16xi32>,
    }
    %scan3A_497 = arith.constant 37 : i32
    %dma_start3A_498 = arith.constant 0 : i32
    %dma_start3A_499 = tpu.memref_slice %arg15[%dma_start3A_498] : memref<56832xi32, #tpu.memory_space<vmem_shared>> -> memref<56832xi32, #tpu.memory_space<vmem_shared>>
    tpu.enqueue_indirect_dma source(%arg9 : memref<592xi32, #tpu.memory_space<vmem>>) target(%dma_start3A_499 : memref<56832xi32, #tpu.memory_space<vmem_shared>>) offsets(%arg8 : memref<592xi32, #tpu.memory_space<vmem>>) semaphore(%arg16 : memref<!tpu.dma_semaphore, #tpu.memory_space<semaphore_mem>>)
    %dma_wait3A_500 = arith.constant 0 : i32
    %dma_wait3A_501 = tpu.memref_slice %arg15[%dma_wait3A_500] : memref<56832xi32, #tpu.memory_space<vmem_shared>> -> memref<56832xi32, #tpu.memory_space<vmem_shared>>
    tpu.wait_indirect_dma semaphore(%arg16 : memref<!tpu.dma_semaphore, #tpu.memory_space<semaphore_mem>>) src(%arg9 : memref<592xi32, #tpu.memory_space<vmem>>) dst(%dma_wait3A_501 : memref<56832xi32, #tpu.memory_space<vmem_shared>>)
    %add3A_502 = arith.constant 1184 : i32
    %add3A_503 = arith.addi %mul3A_6, %add3A_502 : i32
    "tpu.region"() ({
      %run_scoped3A = tpu.sem_alloc : memref<!tpu.dma_semaphore, #tpu.memory_space<semaphore_mem>>
      %dma_start3A_532 = tpu.memref_slice %arg15[%add3A_503] : memref<56832xi32, #tpu.memory_space<vmem_shared>> -> memref<2368xi32, #tpu.memory_space<vmem_shared>>
      %dma_start3A_533 = tpu.memref_slice %arg15[%add3A_503] : memref<56832xi32, #tpu.memory_space<vmem_shared>> -> memref<2368xi32, #tpu.memory_space<vmem_shared>>
      tpu.enqueue_dma source(%dma_start3A_533 : memref<2368xi32, #tpu.memory_space<vmem_shared>>) target(%arg11 : memref<2368xi32, #tpu.memory_space<vmem>>) target_semaphore(%run_scoped3A : memref<!tpu.dma_semaphore, #tpu.memory_space<semaphore_mem>>)
      %dma_wait3A_534 = tpu.memref_slice %arg15[%add3A_503] : memref<56832xi32, #tpu.memory_space<vmem_shared>> -> memref<2368xi32, #tpu.memory_space<vmem_shared>>
      %dma_wait3A_535 = tpu.memref_slice %arg15[%add3A_503] : memref<56832xi32, #tpu.memory_space<vmem_shared>> -> memref<2368xi32, #tpu.memory_space<vmem_shared>>
      tpu.wait_dma2 semaphore(%run_scoped3A : memref<!tpu.dma_semaphore, #tpu.memory_space<semaphore_mem>>) src(%dma_wait3A_535 : memref<2368xi32, #tpu.memory_space<vmem_shared>>) dst(%arg11 : memref<2368xi32, #tpu.memory_space<vmem>>)
      tpu.yield
    }) : () -> ()
    %eq3A = arith.constant 31 : i32
    %eq3A_504 = arith.cmpi eq, %add3A, %eq3A : i32
    %jit3A_505 = arith.constant 24 : i32
    %jit3A_506 = arith.constant 37 : i32
    %select_n3A_507 = arith.select %eq3A_504, %jit3A_505, %jit3A_506 : i32
    %lt3A_508 = arith.constant 0 : i32
    %lt3A_509 = arith.cmpi slt, %lt3A_508, %select_n3A_507 : i32
    %mul3A_510 = arith.constant 0 : i32
    %mul3A_511 = arith.constant 16 : i32
    %mul3A_512 = arith.muli %mul3A_510, %mul3A_511 : i32
    %gt3A = arith.cmpi sgt, %min3A, %mul3A_512 : i32
    %and3A = arith.andi %lt3A_509, %gt3A : i1
    %convert_element_type3A = arith.extui %and3A : i1 to i32
    %cond3A = arith.constant 0 : i32
    %cond3A_513 = arith.constant 0 : i32
    %cond3A_514 = arith.cmpi ne, %convert_element_type3A, %cond3A_513 : i32
    scf.if %cond3A_514 {
      %mul3A_532 = arith.constant 64 : i32
      %mul3A_533 = arith.muli %cond3A, %mul3A_532 : i32
      %dma_start3A_534 = tpu.memref_slice %arg11[%mul3A_533] : memref<2368xi32, #tpu.memory_space<vmem>> -> memref<64xi32, #tpu.memory_space<vmem>>
      %dma_start3A_535 = arith.constant 0 : i32
      %dma_start3A_536 = arith.constant 0 : i32
      %dma_start3A_537 = tpu.memref_slice %arg2[%dma_start3A_535, %dma_start3A_536] : memref<75000x128xf32, #tpu.memory_space<hbm>> -> memref<75000x128xf32, #tpu.memory_space<hbm>>
      tpu.enqueue_indirect_dma source(%dma_start3A_537 : memref<75000x128xf32, #tpu.memory_space<hbm>>) target(%arg12 : memref<64x128xf32, #tpu.memory_space<vmem>>) offsets(%dma_start3A_534 : memref<64xi32, #tpu.memory_space<vmem>>) semaphore(%arg16 : memref<!tpu.dma_semaphore, #tpu.memory_space<semaphore_mem>>)
    } else {
    }
    %scan3A_515 = arith.constant 0 : i32
    %scan3A_516 = arith.constant 0 : i32
    %scan3A_517 = arith.constant 512 : i32
    %scan3A_518 = arith.addi %scan3A_516, %scan3A_517 : i32
    %scan3A_519 = arith.constant 1 : i32
    scf.for %scan3A_532 = %scan3A_516 to %scan3A_518 step %scan3A_519  : i32 {
      %jit3A_533 = arith.constant 8 : i32
      %div3A = arith.divsi %scan3A_532, %jit3A_533 : i32
      %sign3A = arith.constant 0 : i32
      %sign3A_534 = arith.cmpi sgt, %scan3A_532, %sign3A : i32
      %sign3A_535 = arith.extui %sign3A_534 : i1 to i32
      %sign3A_536 = arith.constant 0 : i32
      %sign3A_537 = arith.cmpi slt, %scan3A_532, %sign3A_536 : i32
      %sign3A_538 = arith.extui %sign3A_537 : i1 to i32
      %sign3A_539 = arith.subi %sign3A_535, %sign3A_538 : i32
      %sign3A_540 = arith.constant 0 : i32
      %sign3A_541 = arith.cmpi sgt, %jit3A_533, %sign3A_540 : i32
      %sign3A_542 = arith.extui %sign3A_541 : i1 to i32
      %sign3A_543 = arith.constant 0 : i32
      %sign3A_544 = arith.cmpi slt, %jit3A_533, %sign3A_543 : i32
      %sign3A_545 = arith.extui %sign3A_544 : i1 to i32
      %sign3A_546 = arith.subi %sign3A_542, %sign3A_545 : i32
      %ne3A = arith.cmpi ne, %sign3A_539, %sign3A_546 : i32
      %rem3A = arith.remsi %scan3A_532, %jit3A_533 : i32
      %ne3A_547 = arith.constant 0 : i32
      %ne3A_548 = arith.cmpi ne, %rem3A, %ne3A_547 : i32
      %and3A_549 = arith.andi %ne3A, %ne3A_548 : i1
      %sub3A_550 = arith.constant 1 : i32
      %sub3A_551 = arith.subi %div3A, %sub3A_550 : i32
      %select_n3A_552 = arith.select %and3A_549, %sub3A_551, %div3A : i32
      %jit3A_553 = arith.constant 8 : i32
      %eq3A_554 = arith.constant 0 : i32
      %eq3A_555 = arith.cmpi eq, %jit3A_553, %eq3A_554 : i32
      %jit3A_556 = arith.constant 1 : i32
      %select_n3A_557 = arith.select %eq3A_555, %jit3A_556, %jit3A_553 : i32
      %rem3A_558 = arith.remsi %scan3A_532, %select_n3A_557 : i32
      %ne3A_559 = arith.constant 0 : i32
      %ne3A_560 = arith.cmpi ne, %rem3A_558, %ne3A_559 : i32
      %lt3A_561 = arith.constant 0 : i32
      %lt3A_562 = arith.cmpi slt, %rem3A_558, %lt3A_561 : i32
      %lt3A_563 = arith.constant 0 : i32
      %lt3A_564 = arith.cmpi slt, %select_n3A_557, %lt3A_563 : i32
      %ne3A_565 = arith.xori %lt3A_562, %lt3A_564 : i1
      %and3A_566 = arith.andi %ne3A_565, %ne3A_560 : i1
      %add3A_567 = arith.addi %rem3A_558, %select_n3A_557 : i32
      %select_n3A_568 = arith.select %and3A_566, %add3A_567, %rem3A_558 : i32
      %mul3A_569 = arith.constant 16 : i32
      %mul3A_570 = arith.muli %select_n3A_568, %mul3A_569 : i32
      %swap3A = arith.index_cast %select_n3A_552 : i32 to index
      %swap3A_571 = arith.index_cast %mul3A_570 : i32 to index
      %swap3A_572 = tpu.vector_load %arg14[%swap3A, %swap3A_571] {strides = array<i32>} : memref<64x128xf32, #tpu.memory_space<vmem>>, vector<1x16xf32>,
      %swap3A_573 = vector.shape_cast %swap3A_572 : vector<1x16xf32> to vector<16xf32>
      %swap3A_574 = vector.shape_cast %broadcast_in_dim3A_7 : vector<16xf32> to vector<1x16xf32>
      tpu.vector_store %arg14[%swap3A, %swap3A_571], %swap3A_574 {strides = array<i32>} : memref<64x128xf32, #tpu.memory_space<vmem>>, vector<1x16xf32>,
    }
    %scan3A_520 = arith.constant 512 : i32
    %scan3A_521 = arith.constant 0 : i32
    %scan3A_522 = arith.constant 0 : i32
    %scan3A_523 = arith.constant 19 : i32
    %scan3A_524 = arith.addi %scan3A_522, %scan3A_523 : i32
    %scan3A_525 = arith.constant 1 : i32
    scf.for %scan3A_532 = %scan3A_522 to %scan3A_524 step %scan3A_525  : i32 {
      %mul3A_533 = arith.constant 2 : i32
      %mul3A_534 = arith.muli %scan3A_532, %mul3A_533 : i32
      %add3A_535 = arith.constant 1 : i32
      %add3A_536 = arith.addi %mul3A_534, %add3A_535 : i32
      %lt3A_537 = arith.cmpi slt, %add3A_536, %select_n3A_507 : i32
      %mul3A_538 = arith.constant 16 : i32
      %mul3A_539 = arith.muli %add3A_536, %mul3A_538 : i32
      %gt3A_540 = arith.cmpi sgt, %min3A, %mul3A_539 : i32
      %and3A_541 = arith.andi %lt3A_537, %gt3A_540 : i1
      %convert_element_type3A_542 = arith.extui %and3A_541 : i1 to i32
      %cond3A_543 = arith.constant 0 : i32
      %cond3A_544 = arith.cmpi ne, %convert_element_type3A_542, %cond3A_543 : i32
      scf.if %cond3A_544 {
        %mul3A_591 = arith.constant 64 : i32
        %mul3A_592 = arith.muli %add3A_536, %mul3A_591 : i32
        %dma_start3A_593 = tpu.memref_slice %arg11[%mul3A_592] : memref<2368xi32, #tpu.memory_space<vmem>> -> memref<64xi32, #tpu.memory_space<vmem>>
        %dma_start3A_594 = arith.constant 0 : i32
        %dma_start3A_595 = arith.constant 0 : i32
        %dma_start3A_596 = tpu.memref_slice %arg2[%dma_start3A_594, %dma_start3A_595] : memref<75000x128xf32, #tpu.memory_space<hbm>> -> memref<75000x128xf32, #tpu.memory_space<hbm>>
        tpu.enqueue_indirect_dma source(%dma_start3A_596 : memref<75000x128xf32, #tpu.memory_space<hbm>>) target(%arg13 : memref<64x128xf32, #tpu.memory_space<vmem>>) offsets(%dma_start3A_593 : memref<64xi32, #tpu.memory_space<vmem>>) semaphore(%arg16 : memref<!tpu.dma_semaphore, #tpu.memory_space<semaphore_mem>>)
      } else {
      }
      %mul3A_545 = arith.constant 16 : i32
      %mul3A_546 = arith.muli %mul3A_534, %mul3A_545 : i32
      %sub3A_547 = arith.subi %min3A, %mul3A_546 : i32
      %lt3A_548 = arith.cmpi slt, %mul3A_534, %select_n3A_507 : i32
      %gt3A_549 = arith.constant 0 : i32
      %gt3A_550 = arith.cmpi sgt, %sub3A_547, %gt3A_549 : i32
      %and3A_551 = arith.andi %lt3A_548, %gt3A_550 : i1
      %convert_element_type3A_552 = arith.extui %and3A_551 : i1 to i32
      %cond3A_553 = arith.constant 0 : i32
      %cond3A_554 = arith.cmpi ne, %convert_element_type3A_552, %cond3A_553 : i32
      scf.if %cond3A_554 {
        %dma_wait3A_591 = arith.constant 0 : i32
        %dma_wait3A_592 = arith.constant 0 : i32
        %dma_wait3A_593 = tpu.memref_slice %arg2[%dma_wait3A_591, %dma_wait3A_592] : memref<75000x128xf32, #tpu.memory_space<hbm>> -> memref<64x128xf32, #tpu.memory_space<hbm>>
        %dma_wait3A_594 = arith.constant 0 : i32
        %dma_wait3A_595 = arith.constant 0 : i32
        %dma_wait3A_596 = tpu.memref_slice %arg2[%dma_wait3A_594, %dma_wait3A_595] : memref<75000x128xf32, #tpu.memory_space<hbm>> -> memref<64x128xf32, #tpu.memory_space<hbm>>
        tpu.wait_dma2 semaphore(%arg16 : memref<!tpu.dma_semaphore, #tpu.memory_space<semaphore_mem>>) src(%dma_wait3A_596 : memref<64x128xf32, #tpu.memory_space<hbm>>) dst(%arg12 : memref<64x128xf32, #tpu.memory_space<vmem>>)
        %lt3A_597 = arith.constant 16 : i32
        %lt3A_598 = arith.cmpi slt, %sub3A_547, %lt3A_597 : i32
        %convert_element_type3A_599 = arith.extui %lt3A_598 : i1 to i32
        %cond3A_600 = arith.constant 0 : i32
        %cond3A_601 = arith.cmpi ne, %convert_element_type3A_599, %cond3A_600 : i32
        scf.if %cond3A_601 {
          %mul3A_607 = arith.constant 32 : i32
          %mul3A_608 = arith.muli %sub3A_547, %mul3A_607 : i32
          %while3A_609 = arith.constant 0 : i32
          %while3A_610 = arith.constant 512 : i32
          %while3A_611 = arith.subi %while3A_610, %mul3A_608 : i32
          %while3A_612 = arith.addi %mul3A_608, %while3A_611 : i32
          %while3A_613 = arith.constant 1 : i32
          %while3A_614 = arith.divsi %while3A_611, %while3A_613 : i32
          %while3A_615 = arith.muli %while3A_614, %while3A_613 : i32
          %while3A_616 = arith.addi %mul3A_608, %while3A_615 : i32
          %while3A_617 = arith.constant 1 : i32
          scf.for %while3A_619 = %mul3A_608 to %while3A_616 step %while3A_617  : i32 {
            %jit3A_620 = arith.constant 8 : i32
            %div3A = arith.divsi %while3A_619, %jit3A_620 : i32
            %sign3A = arith.constant 0 : i32
            %sign3A_621 = arith.cmpi sgt, %while3A_619, %sign3A : i32
            %sign3A_622 = arith.extui %sign3A_621 : i1 to i32
            %sign3A_623 = arith.constant 0 : i32
            %sign3A_624 = arith.cmpi slt, %while3A_619, %sign3A_623 : i32
            %sign3A_625 = arith.extui %sign3A_624 : i1 to i32
            %sign3A_626 = arith.subi %sign3A_622, %sign3A_625 : i32
            %sign3A_627 = arith.constant 0 : i32
            %sign3A_628 = arith.cmpi sgt, %jit3A_620, %sign3A_627 : i32
            %sign3A_629 = arith.extui %sign3A_628 : i1 to i32
            %sign3A_630 = arith.constant 0 : i32
            %sign3A_631 = arith.cmpi slt, %jit3A_620, %sign3A_630 : i32
            %sign3A_632 = arith.extui %sign3A_631 : i1 to i32
            %sign3A_633 = arith.subi %sign3A_629, %sign3A_632 : i32
            %ne3A = arith.cmpi ne, %sign3A_626, %sign3A_633 : i32
            %rem3A = arith.remsi %while3A_619, %jit3A_620 : i32
            %ne3A_634 = arith.constant 0 : i32
            %ne3A_635 = arith.cmpi ne, %rem3A, %ne3A_634 : i32
            %and3A_636 = arith.andi %ne3A, %ne3A_635 : i1
            %sub3A_637 = arith.constant 1 : i32
            %sub3A_638 = arith.subi %div3A, %sub3A_637 : i32
            %select_n3A_639 = arith.select %and3A_636, %sub3A_638, %div3A : i32
            %jit3A_640 = arith.constant 8 : i32
            %eq3A_641 = arith.constant 0 : i32
            %eq3A_642 = arith.cmpi eq, %jit3A_640, %eq3A_641 : i32
            %jit3A_643 = arith.constant 1 : i32
            %select_n3A_644 = arith.select %eq3A_642, %jit3A_643, %jit3A_640 : i32
            %rem3A_645 = arith.remsi %while3A_619, %select_n3A_644 : i32
            %ne3A_646 = arith.constant 0 : i32
            %ne3A_647 = arith.cmpi ne, %rem3A_645, %ne3A_646 : i32
            %lt3A_648 = arith.constant 0 : i32
            %lt3A_649 = arith.cmpi slt, %rem3A_645, %lt3A_648 : i32
            %lt3A_650 = arith.constant 0 : i32
            %lt3A_651 = arith.cmpi slt, %select_n3A_644, %lt3A_650 : i32
            %ne3A_652 = arith.xori %lt3A_649, %lt3A_651 : i1
            %and3A_653 = arith.andi %ne3A_652, %ne3A_647 : i1
            %add3A_654 = arith.addi %rem3A_645, %select_n3A_644 : i32
            %select_n3A_655 = arith.select %and3A_653, %add3A_654, %rem3A_645 : i32
            %mul3A_656 = arith.constant 16 : i32
            %mul3A_657 = arith.muli %select_n3A_655, %mul3A_656 : i32
            %swap3A = arith.index_cast %select_n3A_639 : i32 to index
            %swap3A_658 = arith.index_cast %mul3A_657 : i32 to index
            %swap3A_659 = tpu.vector_load %arg12[%swap3A, %swap3A_658] {strides = array<i32>} : memref<64x128xf32, #tpu.memory_space<vmem>>, vector<1x16xf32>,
            %swap3A_660 = vector.shape_cast %swap3A_659 : vector<1x16xf32> to vector<16xf32>
            %swap3A_661 = vector.shape_cast %broadcast_in_dim3A_7 : vector<16xf32> to vector<1x16xf32>
            tpu.vector_store %arg12[%swap3A, %swap3A_658], %swap3A_661 {strides = array<i32>} : memref<64x128xf32, #tpu.memory_space<vmem>>, vector<1x16xf32>,
          }
          %while3A_618 = arith.constant 1 : i32
          scf.for %while3A_619 = %while3A_616 to %while3A_612 step %while3A_618  : i32 {
            %jit3A_620 = arith.constant 8 : i32
            %div3A = arith.divsi %while3A_619, %jit3A_620 : i32
            %sign3A = arith.constant 0 : i32
            %sign3A_621 = arith.cmpi sgt, %while3A_619, %sign3A : i32
            %sign3A_622 = arith.extui %sign3A_621 : i1 to i32
            %sign3A_623 = arith.constant 0 : i32
            %sign3A_624 = arith.cmpi slt, %while3A_619, %sign3A_623 : i32
            %sign3A_625 = arith.extui %sign3A_624 : i1 to i32
            %sign3A_626 = arith.subi %sign3A_622, %sign3A_625 : i32
            %sign3A_627 = arith.constant 0 : i32
            %sign3A_628 = arith.cmpi sgt, %jit3A_620, %sign3A_627 : i32
            %sign3A_629 = arith.extui %sign3A_628 : i1 to i32
            %sign3A_630 = arith.constant 0 : i32
            %sign3A_631 = arith.cmpi slt, %jit3A_620, %sign3A_630 : i32
            %sign3A_632 = arith.extui %sign3A_631 : i1 to i32
            %sign3A_633 = arith.subi %sign3A_629, %sign3A_632 : i32
            %ne3A = arith.cmpi ne, %sign3A_626, %sign3A_633 : i32
            %rem3A = arith.remsi %while3A_619, %jit3A_620 : i32
            %ne3A_634 = arith.constant 0 : i32
            %ne3A_635 = arith.cmpi ne, %rem3A, %ne3A_634 : i32
            %and3A_636 = arith.andi %ne3A, %ne3A_635 : i1
            %sub3A_637 = arith.constant 1 : i32
            %sub3A_638 = arith.subi %div3A, %sub3A_637 : i32
            %select_n3A_639 = arith.select %and3A_636, %sub3A_638, %div3A : i32
            %jit3A_640 = arith.constant 8 : i32
            %eq3A_641 = arith.constant 0 : i32
            %eq3A_642 = arith.cmpi eq, %jit3A_640, %eq3A_641 : i32
            %jit3A_643 = arith.constant 1 : i32
            %select_n3A_644 = arith.select %eq3A_642, %jit3A_643, %jit3A_640 : i32
            %rem3A_645 = arith.remsi %while3A_619, %select_n3A_644 : i32
            %ne3A_646 = arith.constant 0 : i32
            %ne3A_647 = arith.cmpi ne, %rem3A_645, %ne3A_646 : i32
            %lt3A_648 = arith.constant 0 : i32
            %lt3A_649 = arith.cmpi slt, %rem3A_645, %lt3A_648 : i32
            %lt3A_650 = arith.constant 0 : i32
            %lt3A_651 = arith.cmpi slt, %select_n3A_644, %lt3A_650 : i32
            %ne3A_652 = arith.xori %lt3A_649, %lt3A_651 : i1
            %and3A_653 = arith.andi %ne3A_652, %ne3A_647 : i1
            %add3A_654 = arith.addi %rem3A_645, %select_n3A_644 : i32
            %select_n3A_655 = arith.select %and3A_653, %add3A_654, %rem3A_645 : i32
            %mul3A_656 = arith.constant 16 : i32
            %mul3A_657 = arith.muli %select_n3A_655, %mul3A_656 : i32
            %swap3A = arith.index_cast %select_n3A_639 : i32 to index
            %swap3A_658 = arith.index_cast %mul3A_657 : i32 to index
            %swap3A_659 = tpu.vector_load %arg12[%swap3A, %swap3A_658] {strides = array<i32>} : memref<64x128xf32, #tpu.memory_space<vmem>>, vector<1x16xf32>,
            %swap3A_660 = vector.shape_cast %swap3A_659 : vector<1x16xf32> to vector<16xf32>
            %swap3A_661 = vector.shape_cast %broadcast_in_dim3A_7 : vector<16xf32> to vector<1x16xf32>
            tpu.vector_store %arg12[%swap3A, %swap3A_658], %swap3A_661 {strides = array<i32>} : memref<64x128xf32, #tpu.memory_space<vmem>>, vector<1x16xf32>,
          }
        } else {
        }
        %mul3A_602 = arith.constant 16 : i32
        %mul3A_603 = arith.muli %mul3A_534, %mul3A_602 : i32
        %add3A_604 = arith.addi %mul3A_2, %mul3A_603 : i32
        %mul3A_605 = arith.constant 4 : i32
        %mul3A_606 = arith.muli %add3A_604, %mul3A_605 : i32
        "tpu.region"() ({
          %run_scoped3A = tpu.sem_alloc : memref<!tpu.dma_semaphore, #tpu.memory_space<semaphore_mem>>
          %dma_start3A_607 = arith.constant 0 : i32
          %dma_start3A_608 = tpu.memref_slice %arg5[%mul3A_606, %dma_start3A_607] : memref<75000x128xf32, #tpu.memory_space<hbm>> -> memref<64x128xf32, #tpu.memory_space<hbm>>
          %dma_start3A_609 = arith.constant 0 : i32
          %dma_start3A_610 = tpu.memref_slice %arg5[%mul3A_606, %dma_start3A_609] : memref<75000x128xf32, #tpu.memory_space<hbm>> -> memref<64x128xf32, #tpu.memory_space<hbm>>
          tpu.enqueue_dma source(%arg12 : memref<64x128xf32, #tpu.memory_space<vmem>>) target(%dma_start3A_610 : memref<64x128xf32, #tpu.memory_space<hbm>>) target_semaphore(%run_scoped3A : memref<!tpu.dma_semaphore, #tpu.memory_space<semaphore_mem>>)
          %dma_wait3A_611 = arith.constant 0 : i32
          %dma_wait3A_612 = tpu.memref_slice %arg5[%mul3A_606, %dma_wait3A_611] : memref<75000x128xf32, #tpu.memory_space<hbm>> -> memref<64x128xf32, #tpu.memory_space<hbm>>
          %dma_wait3A_613 = arith.constant 0 : i32
          %dma_wait3A_614 = tpu.memref_slice %arg5[%mul3A_606, %dma_wait3A_613] : memref<75000x128xf32, #tpu.memory_space<hbm>> -> memref<64x128xf32, #tpu.memory_space<hbm>>
          tpu.wait_dma2 semaphore(%run_scoped3A : memref<!tpu.dma_semaphore, #tpu.memory_space<semaphore_mem>>) src(%arg12 : memref<64x128xf32, #tpu.memory_space<vmem>>) dst(%dma_wait3A_614 : memref<64x128xf32, #tpu.memory_space<hbm>>)
          tpu.yield
        }) : () -> ()
      } else {
      }
      %lt3A_555 = arith.cmpi slt, %mul3A_534, %select_n3A_507 : i32
      %le3A_556 = arith.constant 0 : i32
      %le3A_557 = arith.cmpi sle, %sub3A_547, %le3A_556 : i32
      %and3A_558 = arith.andi %lt3A_555, %le3A_557 : i1
      %convert_element_type3A_559 = arith.extui %and3A_558 : i1 to i32
      %cond3A_560 = arith.constant 0 : i32
      %cond3A_561 = arith.cmpi ne, %convert_element_type3A_559, %cond3A_560 : i32
      scf.if %cond3A_561 {
        %mul3A_591 = arith.constant 16 : i32
        %mul3A_592 = arith.muli %mul3A_534, %mul3A_591 : i32
        %add3A_593 = arith.addi %mul3A_2, %mul3A_592 : i32
        %mul3A_594 = arith.constant 4 : i32
        %mul3A_595 = arith.muli %add3A_593, %mul3A_594 : i32
        "tpu.region"() ({
          %run_scoped3A = tpu.sem_alloc : memref<!tpu.dma_semaphore, #tpu.memory_space<semaphore_mem>>
          %dma_start3A_596 = arith.constant 0 : i32
          %dma_start3A_597 = tpu.memref_slice %arg5[%mul3A_595, %dma_start3A_596] : memref<75000x128xf32, #tpu.memory_space<hbm>> -> memref<64x128xf32, #tpu.memory_space<hbm>>
          %dma_start3A_598 = arith.constant 0 : i32
          %dma_start3A_599 = tpu.memref_slice %arg5[%mul3A_595, %dma_start3A_598] : memref<75000x128xf32, #tpu.memory_space<hbm>> -> memref<64x128xf32, #tpu.memory_space<hbm>>
          tpu.enqueue_dma source(%arg14 : memref<64x128xf32, #tpu.memory_space<vmem>>) target(%dma_start3A_599 : memref<64x128xf32, #tpu.memory_space<hbm>>) target_semaphore(%run_scoped3A : memref<!tpu.dma_semaphore, #tpu.memory_space<semaphore_mem>>)
          %dma_wait3A_600 = arith.constant 0 : i32
          %dma_wait3A_601 = tpu.memref_slice %arg5[%mul3A_595, %dma_wait3A_600] : memref<75000x128xf32, #tpu.memory_space<hbm>> -> memref<64x128xf32, #tpu.memory_space<hbm>>
          %dma_wait3A_602 = arith.constant 0 : i32
          %dma_wait3A_603 = tpu.memref_slice %arg5[%mul3A_595, %dma_wait3A_602] : memref<75000x128xf32, #tpu.memory_space<hbm>> -> memref<64x128xf32, #tpu.memory_space<hbm>>
          tpu.wait_dma2 semaphore(%run_scoped3A : memref<!tpu.dma_semaphore, #tpu.memory_space<semaphore_mem>>) src(%arg14 : memref<64x128xf32, #tpu.memory_space<vmem>>) dst(%dma_wait3A_603 : memref<64x128xf32, #tpu.memory_space<hbm>>)
          tpu.yield
        }) : () -> ()
      } else {
      }
      %add3A_562 = arith.constant 2 : i32
      %add3A_563 = arith.addi %mul3A_534, %add3A_562 : i32
      %lt3A_564 = arith.cmpi slt, %add3A_563, %select_n3A_507 : i32
      %mul3A_565 = arith.constant 16 : i32
      %mul3A_566 = arith.muli %add3A_563, %mul3A_565 : i32
      %gt3A_567 = arith.cmpi sgt, %min3A, %mul3A_566 : i32
      %and3A_568 = arith.andi %lt3A_564, %gt3A_567 : i1
      %convert_element_type3A_569 = arith.extui %and3A_568 : i1 to i32
      %cond3A_570 = arith.constant 0 : i32
      %cond3A_571 = arith.cmpi ne, %convert_element_type3A_569, %cond3A_570 : i32
      scf.if %cond3A_571 {
        %mul3A_591 = arith.constant 64 : i32
        %mul3A_592 = arith.muli %add3A_563, %mul3A_591 : i32
        %dma_start3A_593 = tpu.memref_slice %arg11[%mul3A_592] : memref<2368xi32, #tpu.memory_space<vmem>> -> memref<64xi32, #tpu.memory_space<vmem>>
        %dma_start3A_594 = arith.constant 0 : i32
        %dma_start3A_595 = arith.constant 0 : i32
        %dma_start3A_596 = tpu.memref_slice %arg2[%dma_start3A_594, %dma_start3A_595] : memref<75000x128xf32, #tpu.memory_space<hbm>> -> memref<75000x128xf32, #tpu.memory_space<hbm>>
        tpu.enqueue_indirect_dma source(%dma_start3A_596 : memref<75000x128xf32, #tpu.memory_space<hbm>>) target(%arg12 : memref<64x128xf32, #tpu.memory_space<vmem>>) offsets(%dma_start3A_593 : memref<64xi32, #tpu.memory_space<vmem>>) semaphore(%arg16 : memref<!tpu.dma_semaphore, #tpu.memory_space<semaphore_mem>>)
      } else {
      }
      %add3A_572 = arith.constant 1 : i32
      %add3A_573 = arith.addi %mul3A_534, %add3A_572 : i32
      %mul3A_574 = arith.constant 16 : i32
      %mul3A_575 = arith.muli %add3A_573, %mul3A_574 : i32
      %sub3A_576 = arith.subi %min3A, %mul3A_575 : i32
      %lt3A_577 = arith.cmpi slt, %add3A_573, %select_n3A_507 : i32
      %gt3A_578 = arith.constant 0 : i32
      %gt3A_579 = arith.cmpi sgt, %sub3A_576, %gt3A_578 : i32
      %and3A_580 = arith.andi %lt3A_577, %gt3A_579 : i1
      %convert_element_type3A_581 = arith.extui %and3A_580 : i1 to i32
      %cond3A_582 = arith.constant 0 : i32
      %cond3A_583 = arith.cmpi ne, %convert_element_type3A_581, %cond3A_582 : i32
      scf.if %cond3A_583 {
        %dma_wait3A_591 = arith.constant 0 : i32
        %dma_wait3A_592 = arith.constant 0 : i32
        %dma_wait3A_593 = tpu.memref_slice %arg2[%dma_wait3A_591, %dma_wait3A_592] : memref<75000x128xf32, #tpu.memory_space<hbm>> -> memref<64x128xf32, #tpu.memory_space<hbm>>
        %dma_wait3A_594 = arith.constant 0 : i32
        %dma_wait3A_595 = arith.constant 0 : i32
        %dma_wait3A_596 = tpu.memref_slice %arg2[%dma_wait3A_594, %dma_wait3A_595] : memref<75000x128xf32, #tpu.memory_space<hbm>> -> memref<64x128xf32, #tpu.memory_space<hbm>>
        tpu.wait_dma2 semaphore(%arg16 : memref<!tpu.dma_semaphore, #tpu.memory_space<semaphore_mem>>) src(%dma_wait3A_596 : memref<64x128xf32, #tpu.memory_space<hbm>>) dst(%arg13 : memref<64x128xf32, #tpu.memory_space<vmem>>)
        %lt3A_597 = arith.constant 16 : i32
        %lt3A_598 = arith.cmpi slt, %sub3A_576, %lt3A_597 : i32
        %convert_element_type3A_599 = arith.extui %lt3A_598 : i1 to i32
        %cond3A_600 = arith.constant 0 : i32
        %cond3A_601 = arith.cmpi ne, %convert_element_type3A_599, %cond3A_600 : i32
        scf.if %cond3A_601 {
          %mul3A_607 = arith.constant 32 : i32
          %mul3A_608 = arith.muli %sub3A_576, %mul3A_607 : i32
          %while3A_609 = arith.constant 0 : i32
          %while3A_610 = arith.constant 512 : i32
          %while3A_611 = arith.subi %while3A_610, %mul3A_608 : i32
          %while3A_612 = arith.addi %mul3A_608, %while3A_611 : i32
          %while3A_613 = arith.constant 1 : i32
          %while3A_614 = arith.divsi %while3A_611, %while3A_613 : i32
          %while3A_615 = arith.muli %while3A_614, %while3A_613 : i32
          %while3A_616 = arith.addi %mul3A_608, %while3A_615 : i32
          %while3A_617 = arith.constant 1 : i32
          scf.for %while3A_619 = %mul3A_608 to %while3A_616 step %while3A_617  : i32 {
            %jit3A_620 = arith.constant 8 : i32
            %div3A = arith.divsi %while3A_619, %jit3A_620 : i32
            %sign3A = arith.constant 0 : i32
            %sign3A_621 = arith.cmpi sgt, %while3A_619, %sign3A : i32
            %sign3A_622 = arith.extui %sign3A_621 : i1 to i32
            %sign3A_623 = arith.constant 0 : i32
            %sign3A_624 = arith.cmpi slt, %while3A_619, %sign3A_623 : i32
            %sign3A_625 = arith.extui %sign3A_624 : i1 to i32
            %sign3A_626 = arith.subi %sign3A_622, %sign3A_625 : i32
            %sign3A_627 = arith.constant 0 : i32
            %sign3A_628 = arith.cmpi sgt, %jit3A_620, %sign3A_627 : i32
            %sign3A_629 = arith.extui %sign3A_628 : i1 to i32
            %sign3A_630 = arith.constant 0 : i32
            %sign3A_631 = arith.cmpi slt, %jit3A_620, %sign3A_630 : i32
            %sign3A_632 = arith.extui %sign3A_631 : i1 to i32
            %sign3A_633 = arith.subi %sign3A_629, %sign3A_632 : i32
            %ne3A = arith.cmpi ne, %sign3A_626, %sign3A_633 : i32
            %rem3A = arith.remsi %while3A_619, %jit3A_620 : i32
            %ne3A_634 = arith.constant 0 : i32
            %ne3A_635 = arith.cmpi ne, %rem3A, %ne3A_634 : i32
            %and3A_636 = arith.andi %ne3A, %ne3A_635 : i1
            %sub3A_637 = arith.constant 1 : i32
            %sub3A_638 = arith.subi %div3A, %sub3A_637 : i32
            %select_n3A_639 = arith.select %and3A_636, %sub3A_638, %div3A : i32
            %jit3A_640 = arith.constant 8 : i32
            %eq3A_641 = arith.constant 0 : i32
            %eq3A_642 = arith.cmpi eq, %jit3A_640, %eq3A_641 : i32
            %jit3A_643 = arith.constant 1 : i32
            %select_n3A_644 = arith.select %eq3A_642, %jit3A_643, %jit3A_640 : i32
            %rem3A_645 = arith.remsi %while3A_619, %select_n3A_644 : i32
            %ne3A_646 = arith.constant 0 : i32
            %ne3A_647 = arith.cmpi ne, %rem3A_645, %ne3A_646 : i32
            %lt3A_648 = arith.constant 0 : i32
            %lt3A_649 = arith.cmpi slt, %rem3A_645, %lt3A_648 : i32
            %lt3A_650 = arith.constant 0 : i32
            %lt3A_651 = arith.cmpi slt, %select_n3A_644, %lt3A_650 : i32
            %ne3A_652 = arith.xori %lt3A_649, %lt3A_651 : i1
            %and3A_653 = arith.andi %ne3A_652, %ne3A_647 : i1
            %add3A_654 = arith.addi %rem3A_645, %select_n3A_644 : i32
            %select_n3A_655 = arith.select %and3A_653, %add3A_654, %rem3A_645 : i32
            %mul3A_656 = arith.constant 16 : i32
            %mul3A_657 = arith.muli %select_n3A_655, %mul3A_656 : i32
            %swap3A = arith.index_cast %select_n3A_639 : i32 to index
            %swap3A_658 = arith.index_cast %mul3A_657 : i32 to index
            %swap3A_659 = tpu.vector_load %arg13[%swap3A, %swap3A_658] {strides = array<i32>} : memref<64x128xf32, #tpu.memory_space<vmem>>, vector<1x16xf32>,
            %swap3A_660 = vector.shape_cast %swap3A_659 : vector<1x16xf32> to vector<16xf32>
            %swap3A_661 = vector.shape_cast %broadcast_in_dim3A_7 : vector<16xf32> to vector<1x16xf32>
            tpu.vector_store %arg13[%swap3A, %swap3A_658], %swap3A_661 {strides = array<i32>} : memref<64x128xf32, #tpu.memory_space<vmem>>, vector<1x16xf32>,
          }
          %while3A_618 = arith.constant 1 : i32
          scf.for %while3A_619 = %while3A_616 to %while3A_612 step %while3A_618  : i32 {
            %jit3A_620 = arith.constant 8 : i32
            %div3A = arith.divsi %while3A_619, %jit3A_620 : i32
            %sign3A = arith.constant 0 : i32
            %sign3A_621 = arith.cmpi sgt, %while3A_619, %sign3A : i32
            %sign3A_622 = arith.extui %sign3A_621 : i1 to i32
            %sign3A_623 = arith.constant 0 : i32
            %sign3A_624 = arith.cmpi slt, %while3A_619, %sign3A_623 : i32
            %sign3A_625 = arith.extui %sign3A_624 : i1 to i32
            %sign3A_626 = arith.subi %sign3A_622, %sign3A_625 : i32
            %sign3A_627 = arith.constant 0 : i32
            %sign3A_628 = arith.cmpi sgt, %jit3A_620, %sign3A_627 : i32
            %sign3A_629 = arith.extui %sign3A_628 : i1 to i32
            %sign3A_630 = arith.constant 0 : i32
            %sign3A_631 = arith.cmpi slt, %jit3A_620, %sign3A_630 : i32
            %sign3A_632 = arith.extui %sign3A_631 : i1 to i32
            %sign3A_633 = arith.subi %sign3A_629, %sign3A_632 : i32
            %ne3A = arith.cmpi ne, %sign3A_626, %sign3A_633 : i32
            %rem3A = arith.remsi %while3A_619, %jit3A_620 : i32
            %ne3A_634 = arith.constant 0 : i32
            %ne3A_635 = arith.cmpi ne, %rem3A, %ne3A_634 : i32
            %and3A_636 = arith.andi %ne3A, %ne3A_635 : i1
            %sub3A_637 = arith.constant 1 : i32
            %sub3A_638 = arith.subi %div3A, %sub3A_637 : i32
            %select_n3A_639 = arith.select %and3A_636, %sub3A_638, %div3A : i32
            %jit3A_640 = arith.constant 8 : i32
            %eq3A_641 = arith.constant 0 : i32
            %eq3A_642 = arith.cmpi eq, %jit3A_640, %eq3A_641 : i32
            %jit3A_643 = arith.constant 1 : i32
            %select_n3A_644 = arith.select %eq3A_642, %jit3A_643, %jit3A_640 : i32
            %rem3A_645 = arith.remsi %while3A_619, %select_n3A_644 : i32
            %ne3A_646 = arith.constant 0 : i32
            %ne3A_647 = arith.cmpi ne, %rem3A_645, %ne3A_646 : i32
            %lt3A_648 = arith.constant 0 : i32
            %lt3A_649 = arith.cmpi slt, %rem3A_645, %lt3A_648 : i32
            %lt3A_650 = arith.constant 0 : i32
            %lt3A_651 = arith.cmpi slt, %select_n3A_644, %lt3A_650 : i32
            %ne3A_652 = arith.xori %lt3A_649, %lt3A_651 : i1
            %and3A_653 = arith.andi %ne3A_652, %ne3A_647 : i1
            %add3A_654 = arith.addi %rem3A_645, %select_n3A_644 : i32
            %select_n3A_655 = arith.select %and3A_653, %add3A_654, %rem3A_645 : i32
            %mul3A_656 = arith.constant 16 : i32
            %mul3A_657 = arith.muli %select_n3A_655, %mul3A_656 : i32
            %swap3A = arith.index_cast %select_n3A_639 : i32 to index
            %swap3A_658 = arith.index_cast %mul3A_657 : i32 to index
            %swap3A_659 = tpu.vector_load %arg13[%swap3A, %swap3A_658] {strides = array<i32>} : memref<64x128xf32, #tpu.memory_space<vmem>>, vector<1x16xf32>,
            %swap3A_660 = vector.shape_cast %swap3A_659 : vector<1x16xf32> to vector<16xf32>
            %swap3A_661 = vector.shape_cast %broadcast_in_dim3A_7 : vector<16xf32> to vector<1x16xf32>
            tpu.vector_store %arg13[%swap3A, %swap3A_658], %swap3A_661 {strides = array<i32>} : memref<64x128xf32, #tpu.memory_space<vmem>>, vector<1x16xf32>,
          }
        } else {
        }
        %mul3A_602 = arith.constant 16 : i32
        %mul3A_603 = arith.muli %add3A_573, %mul3A_602 : i32
        %add3A_604 = arith.addi %mul3A_2, %mul3A_603 : i32
        %mul3A_605 = arith.constant 4 : i32
        %mul3A_606 = arith.muli %add3A_604, %mul3A_605 : i32
        "tpu.region"() ({
          %run_scoped3A = tpu.sem_alloc : memref<!tpu.dma_semaphore, #tpu.memory_space<semaphore_mem>>
          %dma_start3A_607 = arith.constant 0 : i32
          %dma_start3A_608 = tpu.memref_slice %arg5[%mul3A_606, %dma_start3A_607] : memref<75000x128xf32, #tpu.memory_space<hbm>> -> memref<64x128xf32, #tpu.memory_space<hbm>>
          %dma_start3A_609 = arith.constant 0 : i32
          %dma_start3A_610 = tpu.memref_slice %arg5[%mul3A_606, %dma_start3A_609] : memref<75000x128xf32, #tpu.memory_space<hbm>> -> memref<64x128xf32, #tpu.memory_space<hbm>>
          tpu.enqueue_dma source(%arg13 : memref<64x128xf32, #tpu.memory_space<vmem>>) target(%dma_start3A_610 : memref<64x128xf32, #tpu.memory_space<hbm>>) target_semaphore(%run_scoped3A : memref<!tpu.dma_semaphore, #tpu.memory_space<semaphore_mem>>)
          %dma_wait3A_611 = arith.constant 0 : i32
          %dma_wait3A_612 = tpu.memref_slice %arg5[%mul3A_606, %dma_wait3A_611] : memref<75000x128xf32, #tpu.memory_space<hbm>> -> memref<64x128xf32, #tpu.memory_space<hbm>>
          %dma_wait3A_613 = arith.constant 0 : i32
          %dma_wait3A_614 = tpu.memref_slice %arg5[%mul3A_606, %dma_wait3A_613] : memref<75000x128xf32, #tpu.memory_space<hbm>> -> memref<64x128xf32, #tpu.memory_space<hbm>>
          tpu.wait_dma2 semaphore(%run_scoped3A : memref<!tpu.dma_semaphore, #tpu.memory_space<semaphore_mem>>) src(%arg13 : memref<64x128xf32, #tpu.memory_space<vmem>>) dst(%dma_wait3A_614 : memref<64x128xf32, #tpu.memory_space<hbm>>)
          tpu.yield
        }) : () -> ()
      } else {
      }
      %lt3A_584 = arith.cmpi slt, %add3A_573, %select_n3A_507 : i32
      %le3A_585 = arith.constant 0 : i32
      %le3A_586 = arith.cmpi sle, %sub3A_576, %le3A_585 : i32
      %and3A_587 = arith.andi %lt3A_584, %le3A_586 : i1
      %convert_element_type3A_588 = arith.extui %and3A_587 : i1 to i32
      %cond3A_589 = arith.constant 0 : i32
      %cond3A_590 = arith.cmpi ne, %convert_element_type3A_588, %cond3A_589 : i32
      scf.if %cond3A_590 {
        %mul3A_591 = arith.constant 16 : i32
        %mul3A_592 = arith.muli %add3A_573, %mul3A_591 : i32
        %add3A_593 = arith.addi %mul3A_2, %mul3A_592 : i32
        %mul3A_594 = arith.constant 4 : i32
        %mul3A_595 = arith.muli %add3A_593, %mul3A_594 : i32
        "tpu.region"() ({
          %run_scoped3A = tpu.sem_alloc : memref<!tpu.dma_semaphore, #tpu.memory_space<semaphore_mem>>
          %dma_start3A_596 = arith.constant 0 : i32
          %dma_start3A_597 = tpu.memref_slice %arg5[%mul3A_595, %dma_start3A_596] : memref<75000x128xf32, #tpu.memory_space<hbm>> -> memref<64x128xf32, #tpu.memory_space<hbm>>
          %dma_start3A_598 = arith.constant 0 : i32
          %dma_start3A_599 = tpu.memref_slice %arg5[%mul3A_595, %dma_start3A_598] : memref<75000x128xf32, #tpu.memory_space<hbm>> -> memref<64x128xf32, #tpu.memory_space<hbm>>
          tpu.enqueue_dma source(%arg14 : memref<64x128xf32, #tpu.memory_space<vmem>>) target(%dma_start3A_599 : memref<64x128xf32, #tpu.memory_space<hbm>>) target_semaphore(%run_scoped3A : memref<!tpu.dma_semaphore, #tpu.memory_space<semaphore_mem>>)
          %dma_wait3A_600 = arith.constant 0 : i32
          %dma_wait3A_601 = tpu.memref_slice %arg5[%mul3A_595, %dma_wait3A_600] : memref<75000x128xf32, #tpu.memory_space<hbm>> -> memref<64x128xf32, #tpu.memory_space<hbm>>
          %dma_wait3A_602 = arith.constant 0 : i32
          %dma_wait3A_603 = tpu.memref_slice %arg5[%mul3A_595, %dma_wait3A_602] : memref<75000x128xf32, #tpu.memory_space<hbm>> -> memref<64x128xf32, #tpu.memory_space<hbm>>
          tpu.wait_dma2 semaphore(%run_scoped3A : memref<!tpu.dma_semaphore, #tpu.memory_space<semaphore_mem>>) src(%arg14 : memref<64x128xf32, #tpu.memory_space<vmem>>) dst(%dma_wait3A_603 : memref<64x128xf32, #tpu.memory_space<hbm>>)
          tpu.yield
        }) : () -> ()
      } else {
      }
    }
    %scan3A_526 = arith.constant 19 : i32
    %eq3A_527 = arith.constant 31 : i32
    %eq3A_528 = arith.cmpi eq, %add3A, %eq3A_527 : i32
    %convert_element_type3A_529 = arith.extui %eq3A_528 : i1 to i32
    %cond3A_530 = arith.constant 0 : i32
    %cond3A_531 = arith.cmpi ne, %convert_element_type3A_529, %cond3A_530 : i32
    scf.if %cond3A_531 {
      %sub3A_532 = arith.constant 384 : i32
      %sub3A_533 = arith.subi %min3A, %sub3A_532 : i32
      %gt3A_534 = arith.constant 0 : i32
      %gt3A_535 = arith.cmpi sgt, %sub3A_533, %gt3A_534 : i32
      %convert_element_type3A_536 = arith.extui %gt3A_535 : i1 to i32
      %cond3A_537 = arith.constant 0 : i32
      %cond3A_538 = arith.cmpi ne, %convert_element_type3A_536, %cond3A_537 : i32
      scf.if %cond3A_538 {
        %dma_start3A_555 = arith.constant 0 : i32
        %dma_start3A_556 = arith.constant 0 : i32
        %dma_start3A_557 = tpu.memref_slice %arg12[%dma_start3A_555, %dma_start3A_556] : memref<64x128xf32, #tpu.memory_space<vmem>> -> memref<56x128xf32, #tpu.memory_space<vmem>>
        %dma_start3A_558 = arith.constant 1536 : i32
        %dma_start3A_559 = tpu.memref_slice %arg11[%dma_start3A_558] : memref<2368xi32, #tpu.memory_space<vmem>> -> memref<56xi32, #tpu.memory_space<vmem>>
        %dma_start3A_560 = arith.constant 0 : i32
        %dma_start3A_561 = arith.constant 0 : i32
        %dma_start3A_562 = tpu.memref_slice %arg2[%dma_start3A_560, %dma_start3A_561] : memref<75000x128xf32, #tpu.memory_space<hbm>> -> memref<75000x128xf32, #tpu.memory_space<hbm>>
        tpu.enqueue_indirect_dma source(%dma_start3A_562 : memref<75000x128xf32, #tpu.memory_space<hbm>>) target(%dma_start3A_557 : memref<56x128xf32, #tpu.memory_space<vmem>>) offsets(%dma_start3A_559 : memref<56xi32, #tpu.memory_space<vmem>>) semaphore(%arg16 : memref<!tpu.dma_semaphore, #tpu.memory_space<semaphore_mem>>)
        %dma_wait3A_563 = arith.constant 0 : i32
        %dma_wait3A_564 = arith.constant 0 : i32
        %dma_wait3A_565 = tpu.memref_slice %arg12[%dma_wait3A_563, %dma_wait3A_564] : memref<64x128xf32, #tpu.memory_space<vmem>> -> memref<56x128xf32, #tpu.memory_space<vmem>>
        %dma_wait3A_566 = arith.constant 1536 : i32
        %dma_wait3A_567 = tpu.memref_slice %arg11[%dma_wait3A_566] : memref<2368xi32, #tpu.memory_space<vmem>> -> memref<56xi32, #tpu.memory_space<vmem>>
        %dma_wait3A_568 = arith.constant 0 : i32
        %dma_wait3A_569 = arith.constant 0 : i32
        %dma_wait3A_570 = tpu.memref_slice %arg2[%dma_wait3A_568, %dma_wait3A_569] : memref<75000x128xf32, #tpu.memory_space<hbm>> -> memref<75000x128xf32, #tpu.memory_space<hbm>>
        tpu.wait_indirect_dma semaphore(%arg16 : memref<!tpu.dma_semaphore, #tpu.memory_space<semaphore_mem>>) src(%dma_wait3A_570 : memref<75000x128xf32, #tpu.memory_space<hbm>>) dst(%dma_wait3A_565 : memref<56x128xf32, #tpu.memory_space<vmem>>)
      } else {
      }
      %jit3A_539 = arith.constant 0 : i32
      %jit3A_540 = arith.constant 14 : i32
      %max3A_541 = arith.maxsi %jit3A_539, %sub3A_533 : i32
      %min3A_542 = arith.minsi %jit3A_540, %max3A_541 : i32
      %mul3A_543 = arith.constant 32 : i32
      %mul3A_544 = arith.muli %min3A_542, %mul3A_543 : i32
      %while3A_545 = arith.constant 0 : i32
      %while3A_546 = arith.constant 448 : i32
      %while3A_547 = arith.subi %while3A_546, %mul3A_544 : i32
      %while3A_548 = arith.addi %mul3A_544, %while3A_547 : i32
      %while3A_549 = arith.constant 1 : i32
      %while3A_550 = arith.divsi %while3A_547, %while3A_549 : i32
      %while3A_551 = arith.muli %while3A_550, %while3A_549 : i32
      %while3A_552 = arith.addi %mul3A_544, %while3A_551 : i32
      %while3A_553 = arith.constant 1 : i32
      scf.for %while3A_555 = %mul3A_544 to %while3A_552 step %while3A_553  : i32 {
        %jit3A_556 = arith.constant 8 : i32
        %div3A = arith.divsi %while3A_555, %jit3A_556 : i32
        %sign3A = arith.constant 0 : i32
        %sign3A_557 = arith.cmpi sgt, %while3A_555, %sign3A : i32
        %sign3A_558 = arith.extui %sign3A_557 : i1 to i32
        %sign3A_559 = arith.constant 0 : i32
        %sign3A_560 = arith.cmpi slt, %while3A_555, %sign3A_559 : i32
        %sign3A_561 = arith.extui %sign3A_560 : i1 to i32
        %sign3A_562 = arith.subi %sign3A_558, %sign3A_561 : i32
        %sign3A_563 = arith.constant 0 : i32
        %sign3A_564 = arith.cmpi sgt, %jit3A_556, %sign3A_563 : i32
        %sign3A_565 = arith.extui %sign3A_564 : i1 to i32
        %sign3A_566 = arith.constant 0 : i32
        %sign3A_567 = arith.cmpi slt, %jit3A_556, %sign3A_566 : i32
        %sign3A_568 = arith.extui %sign3A_567 : i1 to i32
        %sign3A_569 = arith.subi %sign3A_565, %sign3A_568 : i32
        %ne3A = arith.cmpi ne, %sign3A_562, %sign3A_569 : i32
        %rem3A = arith.remsi %while3A_555, %jit3A_556 : i32
        %ne3A_570 = arith.constant 0 : i32
        %ne3A_571 = arith.cmpi ne, %rem3A, %ne3A_570 : i32
        %and3A_572 = arith.andi %ne3A, %ne3A_571 : i1
        %sub3A_573 = arith.constant 1 : i32
        %sub3A_574 = arith.subi %div3A, %sub3A_573 : i32
        %select_n3A_575 = arith.select %and3A_572, %sub3A_574, %div3A : i32
        %jit3A_576 = arith.constant 8 : i32
        %eq3A_577 = arith.constant 0 : i32
        %eq3A_578 = arith.cmpi eq, %jit3A_576, %eq3A_577 : i32
        %jit3A_579 = arith.constant 1 : i32
        %select_n3A_580 = arith.select %eq3A_578, %jit3A_579, %jit3A_576 : i32
        %rem3A_581 = arith.remsi %while3A_555, %select_n3A_580 : i32
        %ne3A_582 = arith.constant 0 : i32
        %ne3A_583 = arith.cmpi ne, %rem3A_581, %ne3A_582 : i32
        %lt3A_584 = arith.constant 0 : i32
        %lt3A_585 = arith.cmpi slt, %rem3A_581, %lt3A_584 : i32
        %lt3A_586 = arith.constant 0 : i32
        %lt3A_587 = arith.cmpi slt, %select_n3A_580, %lt3A_586 : i32
        %ne3A_588 = arith.xori %lt3A_585, %lt3A_587 : i1
        %and3A_589 = arith.andi %ne3A_588, %ne3A_583 : i1
        %add3A_590 = arith.addi %rem3A_581, %select_n3A_580 : i32
        %select_n3A_591 = arith.select %and3A_589, %add3A_590, %rem3A_581 : i32
        %mul3A_592 = arith.constant 16 : i32
        %mul3A_593 = arith.muli %select_n3A_591, %mul3A_592 : i32
        %swap3A = arith.index_cast %select_n3A_575 : i32 to index
        %swap3A_594 = arith.index_cast %mul3A_593 : i32 to index
        %swap3A_595 = tpu.vector_load %arg12[%swap3A, %swap3A_594] {strides = array<i32>} : memref<64x128xf32, #tpu.memory_space<vmem>>, vector<1x16xf32>,
        %swap3A_596 = vector.shape_cast %swap3A_595 : vector<1x16xf32> to vector<16xf32>
        %swap3A_597 = vector.shape_cast %broadcast_in_dim3A_7 : vector<16xf32> to vector<1x16xf32>
        tpu.vector_store %arg12[%swap3A, %swap3A_594], %swap3A_597 {strides = array<i32>} : memref<64x128xf32, #tpu.memory_space<vmem>>, vector<1x16xf32>,
      }
      %while3A_554 = arith.constant 1 : i32
      scf.for %while3A_555 = %while3A_552 to %while3A_548 step %while3A_554  : i32 {
        %jit3A_556 = arith.constant 8 : i32
        %div3A = arith.divsi %while3A_555, %jit3A_556 : i32
        %sign3A = arith.constant 0 : i32
        %sign3A_557 = arith.cmpi sgt, %while3A_555, %sign3A : i32
        %sign3A_558 = arith.extui %sign3A_557 : i1 to i32
        %sign3A_559 = arith.constant 0 : i32
        %sign3A_560 = arith.cmpi slt, %while3A_555, %sign3A_559 : i32
        %sign3A_561 = arith.extui %sign3A_560 : i1 to i32
        %sign3A_562 = arith.subi %sign3A_558, %sign3A_561 : i32
        %sign3A_563 = arith.constant 0 : i32
        %sign3A_564 = arith.cmpi sgt, %jit3A_556, %sign3A_563 : i32
        %sign3A_565 = arith.extui %sign3A_564 : i1 to i32
        %sign3A_566 = arith.constant 0 : i32
        %sign3A_567 = arith.cmpi slt, %jit3A_556, %sign3A_566 : i32
        %sign3A_568 = arith.extui %sign3A_567 : i1 to i32
        %sign3A_569 = arith.subi %sign3A_565, %sign3A_568 : i32
        %ne3A = arith.cmpi ne, %sign3A_562, %sign3A_569 : i32
        %rem3A = arith.remsi %while3A_555, %jit3A_556 : i32
        %ne3A_570 = arith.constant 0 : i32
        %ne3A_571 = arith.cmpi ne, %rem3A, %ne3A_570 : i32
        %and3A_572 = arith.andi %ne3A, %ne3A_571 : i1
        %sub3A_573 = arith.constant 1 : i32
        %sub3A_574 = arith.subi %div3A, %sub3A_573 : i32
        %select_n3A_575 = arith.select %and3A_572, %sub3A_574, %div3A : i32
        %jit3A_576 = arith.constant 8 : i32
        %eq3A_577 = arith.constant 0 : i32
        %eq3A_578 = arith.cmpi eq, %jit3A_576, %eq3A_577 : i32
        %jit3A_579 = arith.constant 1 : i32
        %select_n3A_580 = arith.select %eq3A_578, %jit3A_579, %jit3A_576 : i32
        %rem3A_581 = arith.remsi %while3A_555, %select_n3A_580 : i32
        %ne3A_582 = arith.constant 0 : i32
        %ne3A_583 = arith.cmpi ne, %rem3A_581, %ne3A_582 : i32
        %lt3A_584 = arith.constant 0 : i32
        %lt3A_585 = arith.cmpi slt, %rem3A_581, %lt3A_584 : i32
        %lt3A_586 = arith.constant 0 : i32
        %lt3A_587 = arith.cmpi slt, %select_n3A_580, %lt3A_586 : i32
        %ne3A_588 = arith.xori %lt3A_585, %lt3A_587 : i1
        %and3A_589 = arith.andi %ne3A_588, %ne3A_583 : i1
        %add3A_590 = arith.addi %rem3A_581, %select_n3A_580 : i32
        %select_n3A_591 = arith.select %and3A_589, %add3A_590, %rem3A_581 : i32
        %mul3A_592 = arith.constant 16 : i32
        %mul3A_593 = arith.muli %select_n3A_591, %mul3A_592 : i32
        %swap3A = arith.index_cast %select_n3A_575 : i32 to index
        %swap3A_594 = arith.index_cast %mul3A_593 : i32 to index
        %swap3A_595 = tpu.vector_load %arg12[%swap3A, %swap3A_594] {strides = array<i32>} : memref<64x128xf32, #tpu.memory_space<vmem>>, vector<1x16xf32>,
        %swap3A_596 = vector.shape_cast %swap3A_595 : vector<1x16xf32> to vector<16xf32>
        %swap3A_597 = vector.shape_cast %broadcast_in_dim3A_7 : vector<16xf32> to vector<1x16xf32>
        tpu.vector_store %arg12[%swap3A, %swap3A_594], %swap3A_597 {strides = array<i32>} : memref<64x128xf32, #tpu.memory_space<vmem>>, vector<1x16xf32>,
      }
      "tpu.region"() ({
        %run_scoped3A = tpu.sem_alloc : memref<!tpu.dma_semaphore, #tpu.memory_space<semaphore_mem>>
        %dma_start3A_555 = arith.constant 0 : i32
        %dma_start3A_556 = arith.constant 0 : i32
        %dma_start3A_557 = tpu.memref_slice %arg12[%dma_start3A_555, %dma_start3A_556] : memref<64x128xf32, #tpu.memory_space<vmem>> -> memref<56x128xf32, #tpu.memory_space<vmem>>
        %dma_start3A_558 = arith.constant 74944 : i32
        %dma_start3A_559 = arith.constant 0 : i32
        %dma_start3A_560 = tpu.memref_slice %arg5[%dma_start3A_558, %dma_start3A_559] : memref<75000x128xf32, #tpu.memory_space<hbm>> -> memref<56x128xf32, #tpu.memory_space<hbm>>
        %dma_start3A_561 = arith.constant 74944 : i32
        %dma_start3A_562 = arith.constant 0 : i32
        %dma_start3A_563 = tpu.memref_slice %arg5[%dma_start3A_561, %dma_start3A_562] : memref<75000x128xf32, #tpu.memory_space<hbm>> -> memref<56x128xf32, #tpu.memory_space<hbm>>
        %dma_start3A_564 = arith.constant 0 : i32
        %dma_start3A_565 = arith.constant 0 : i32
        %dma_start3A_566 = tpu.memref_slice %arg12[%dma_start3A_564, %dma_start3A_565] : memref<64x128xf32, #tpu.memory_space<vmem>> -> memref<56x128xf32, #tpu.memory_space<vmem>>
        tpu.enqueue_dma source(%dma_start3A_566 : memref<56x128xf32, #tpu.memory_space<vmem>>) target(%dma_start3A_563 : memref<56x128xf32, #tpu.memory_space<hbm>>) target_semaphore(%run_scoped3A : memref<!tpu.dma_semaphore, #tpu.memory_space<semaphore_mem>>)
        %dma_wait3A_567 = arith.constant 0 : i32
        %dma_wait3A_568 = arith.constant 0 : i32
        %dma_wait3A_569 = tpu.memref_slice %arg12[%dma_wait3A_567, %dma_wait3A_568] : memref<64x128xf32, #tpu.memory_space<vmem>> -> memref<56x128xf32, #tpu.memory_space<vmem>>
        %dma_wait3A_570 = arith.constant 74944 : i32
        %dma_wait3A_571 = arith.constant 0 : i32
        %dma_wait3A_572 = tpu.memref_slice %arg5[%dma_wait3A_570, %dma_wait3A_571] : memref<75000x128xf32, #tpu.memory_space<hbm>> -> memref<56x128xf32, #tpu.memory_space<hbm>>
        %dma_wait3A_573 = arith.constant 74944 : i32
        %dma_wait3A_574 = arith.constant 0 : i32
        %dma_wait3A_575 = tpu.memref_slice %arg5[%dma_wait3A_573, %dma_wait3A_574] : memref<75000x128xf32, #tpu.memory_space<hbm>> -> memref<56x128xf32, #tpu.memory_space<hbm>>
        %dma_wait3A_576 = arith.constant 0 : i32
        %dma_wait3A_577 = arith.constant 0 : i32
        %dma_wait3A_578 = tpu.memref_slice %arg12[%dma_wait3A_576, %dma_wait3A_577] : memref<64x128xf32, #tpu.memory_space<vmem>> -> memref<56x128xf32, #tpu.memory_space<vmem>>
        tpu.wait_dma2 semaphore(%run_scoped3A : memref<!tpu.dma_semaphore, #tpu.memory_space<semaphore_mem>>) src(%dma_wait3A_578 : memref<56x128xf32, #tpu.memory_space<vmem>>) dst(%dma_wait3A_575 : memref<56x128xf32, #tpu.memory_space<hbm>>)
        tpu.yield
      }) : () -> ()
    } else {
    }
    return
  }
}

module attributes {stable_mosaic.version = 14 : i64} {
  func.func @_score_body(%arg0: i32, %arg1: memref<592x512xf32, #tpu.memory_space<vmem>>, %arg2: memref<512x1xf32, #tpu.memory_space<vmem>>, %arg3: memref<1xf32, #tpu.memory_space<smem>>, %arg4: memref<1x1x592xi32, #tpu.memory_space<vmem>>, %arg5: memref<1x1x128xi32, #tpu.memory_space<vmem>>, %arg6: memref<1x1xf32, #tpu.memory_space<smem>>, %arg7: memref<1x128xf32, #tpu.memory_space<vmem>>) attributes {dimension_semantics = [#tpu.dimension_semantics<arbitrary>], iteration_bounds = array<i64: 32>, scalar_prefetch = 0 : i64, scratch_operands = 2 : i64, tpu.core_type = #tpu.core_type<tc>, window_params = [{transform_indices = @transform_0, window_bounds = array<i64: 592, 512>}, {pipeline_mode = #tpu.pipeline_mode<synchronous>, transform_indices = @transform_1, window_bounds = array<i64: 512, 1>}, {transform_indices = @transform_2, window_bounds = array<i64: 1>}, {transform_indices = @transform_3, window_bounds = array<i64: 1, 1, 592>}, {pipeline_mode = #tpu.pipeline_mode<synchronous>, transform_indices = @transform_4, window_bounds = array<i64: 1, 1, 128>}]} {
    %get3A = arith.constant 0 : index
    %get3A_0 = arith.constant 0 : index
    %get3A_1 = vector.load %arg1[%get3A, %get3A_0] : memref<592x512xf32, #tpu.memory_space<vmem>>, vector<592x512xf32>
    %get3A_2 = arith.constant 0 : index
    %get3A_3 = arith.constant 0 : index
    %get3A_4 = vector.load %arg2[%get3A_2, %get3A_3] : memref<512x1xf32, #tpu.memory_space<vmem>>, vector<512x1xf32>
    %dot_general3A = arith.constant dense<0.000000e+00> : vector<592x1xf32>
    %dot_general3A_5 = tpu.matmul %get3A_1, %get3A_4, %dot_general3A {dimension_numbers = #tpu.dot_dimension_numbers<[1], [0], [0], [1], [0, 0, 1, 1], [], []>, transpose_lhs_hint = false} : vector<592x512xf32>, vector<512x1xf32>, vector<592x1xf32> -> vector<592x1xf32>
    %get3A_6 = arith.constant 0 : index
    %get3A_7 = memref.load %arg3[%get3A_6] : memref<1xf32, #tpu.memory_space<smem>>
    %add3A = vector.broadcast %get3A_7 : f32 to vector<592x1xf32>
    %add3A_8 = arith.addf %dot_general3A_5, %add3A : vector<592x1xf32>
    %iota3A = tpu.iota {dimensions = array<i32: 0>} : vector<592x1xi32>
    %mul3A = arith.constant 592 : i32
    %mul3A_9 = arith.muli %arg0, %mul3A : i32
    %add3A_10 = vector.broadcast %mul3A_9 : i32 to vector<592x1xi32>
    %add3A_11 = arith.addi %iota3A, %add3A_10 : vector<592x1xi32>
    %gt3A = arith.constant 0.000000e+00 : f32
    %gt3A_12 = vector.broadcast %gt3A : f32 to vector<592x1xf32>
    %gt3A_13 = arith.cmpf ogt, %add3A_8, %gt3A_12 : vector<592x1xf32>
    %lt3A = arith.constant 18750 : i32
    %lt3A_14 = vector.broadcast %lt3A : i32 to vector<592x1xi32>
    %lt3A_15 = arith.cmpi slt, %add3A_11, %lt3A_14 : vector<592x1xi32>
    %and3A = arith.andi %gt3A_13, %lt3A_15 : vector<592x1xi1>
    %jit3A = arith.constant 1.000000e+00 : f32
    %jit3A_16 = arith.constant 0.000000e+00 : f32
    %broadcast_in_dim3A = vector.broadcast %jit3A : f32 to vector<592x1xf32>
    %broadcast_in_dim3A_17 = vector.broadcast %jit3A_16 : f32 to vector<592x1xf32>
    %select_n3A = arith.select %and3A, %broadcast_in_dim3A, %broadcast_in_dim3A_17 : vector<592x1xi1>, vector<592x1xf32>
    %iota3A_18 = tpu.iota {dimensions = array<i32: 0>} : vector<592x592xi32>
    %iota3A_19 = tpu.iota {dimensions = array<i32: 1>} : vector<592x592xi32>
    %ge3A = arith.cmpi sge, %iota3A_18, %iota3A_19 : vector<592x592xi32>
    %jit3A_20 = arith.constant 1.000000e+00 : f32
    %jit3A_21 = arith.constant 0.000000e+00 : f32
    %broadcast_in_dim3A_22 = vector.broadcast %jit3A_20 : f32 to vector<592x592xf32>
    %broadcast_in_dim3A_23 = vector.broadcast %jit3A_21 : f32 to vector<592x592xf32>
    %select_n3A_24 = arith.select %ge3A, %broadcast_in_dim3A_22, %broadcast_in_dim3A_23 : vector<592x592xi1>, vector<592x592xf32>
    %dot_general3A_25 = arith.constant dense<0.000000e+00> : vector<592x1xf32>
    %dot_general3A_26 = tpu.matmul %select_n3A_24, %select_n3A, %dot_general3A_25 {dimension_numbers = #tpu.dot_dimension_numbers<[1], [0], [0], [1], [0, 0, 1, 1], [], []>, transpose_lhs_hint = false} : vector<592x592xf32>, vector<592x1xf32>, vector<592x1xf32> -> vector<592x1xf32>
    %eq3A = arith.constant 0 : i32
    %eq3A_27 = arith.cmpi eq, %arg0, %eq3A : i32
    %convert_element_type3A = arith.extui %eq3A_27 : i1 to i32
    %cond3A = arith.constant 0 : i32
    %cond3A_28 = arith.cmpi ne, %convert_element_type3A, %cond3A : i32
    scf.if %cond3A_28 {
      %swap3A_72 = arith.constant 0.000000e+00 : f32
      %swap3A_73 = arith.constant 0 : index
      %swap3A_74 = arith.constant 0 : index
      %swap3A_75 = memref.load %arg6[%swap3A_73, %swap3A_74] : memref<1x1xf32, #tpu.memory_space<smem>>
      memref.store %swap3A_72, %arg6[%swap3A_73, %swap3A_74] : memref<1x1xf32, #tpu.memory_space<smem>>
      %broadcast_in_dim3A_76 = arith.constant 0.000000e+00 : f32
      %broadcast_in_dim3A_77 = vector.broadcast %broadcast_in_dim3A_76 : f32 to vector<1x128xf32>
      %swap3A_78 = arith.constant 0 : index
      %swap3A_79 = arith.constant 0 : index
      %swap3A_80 = vector.load %arg7[%swap3A_78, %swap3A_79] : memref<1x128xf32, #tpu.memory_space<vmem>>, vector<1x128xf32>
      tpu.vector_store %arg7[%swap3A_78, %swap3A_79], %broadcast_in_dim3A_77 {strides = array<i32>} : memref<1x128xf32, #tpu.memory_space<vmem>>, vector<1x128xf32>,
    } else {
    }
    %get3A_29 = arith.constant 0 : index
    %get3A_30 = arith.constant 0 : index
    %get3A_31 = memref.load %arg6[%get3A_29, %get3A_30] : memref<1x1xf32, #tpu.memory_space<smem>>
    %gt3A_32 = arith.constant 0.000000e+00 : f32
    %gt3A_33 = vector.broadcast %gt3A_32 : f32 to vector<592x1xf32>
    %gt3A_34 = arith.cmpf ogt, %select_n3A, %gt3A_33 : vector<592x1xf32>
    %add3A_35 = vector.broadcast %get3A_31 : f32 to vector<592x1xf32>
    %add3A_36 = arith.addf %add3A_35, %dot_general3A_26 : vector<592x1xf32>
    %jit3A_37 = arith.constant 0.000000e+00 : f32
    %broadcast_in_dim3A_38 = vector.broadcast %jit3A_37 : f32 to vector<592x1xf32>
    %select_n3A_39 = arith.select %gt3A_34, %add3A_36, %broadcast_in_dim3A_38 : vector<592x1xi1>, vector<592x1xf32>
    %convert_element_type3A_40 = arith.fptosi %select_n3A_39 : vector<592x1xf32> to vector<592x1xi32>
    %reshape3A = vector.shape_cast %convert_element_type3A_40 : vector<592x1xi32> to vector<1x1x592xi32>
    %swap3A = arith.constant 0 : index
    %swap3A_41 = arith.constant 0 : index
    %swap3A_42 = arith.constant 0 : index
    %swap3A_43 = vector.load %arg4[%swap3A, %swap3A_41, %swap3A_42] : memref<1x1x592xi32, #tpu.memory_space<vmem>>, vector<1x1x592xi32>
    tpu.vector_store %arg4[%swap3A, %swap3A_41, %swap3A_42], %reshape3A {strides = array<i32>} : memref<1x1x592xi32, #tpu.memory_space<vmem>>, vector<1x1x592xi32>,
    %reduce_max3A = vector.shape_cast %dot_general3A_26 : vector<592x1xf32> to vector<1x592x1xf32>
    %reduce_max3A_44 = arith.constant dense<0xFF800000> : vector<1xf32>
    %reduce_max3A_45 = vector.multi_reduction <maximumf>, %reduce_max3A, %reduce_max3A_44 [1, 2] : vector<1x592x1xf32> to vector<1xf32>
    %reduce_max3A_46 = vector.shape_cast %reduce_max3A_45 : vector<1xf32> to vector<1x1x1xf32>
    %reduce_max3A_47 = vector.extract %reduce_max3A_46[0, 0, 0] : f32 from vector<1x1x1xf32>
    %add3A_48 = arith.addf %get3A_31, %reduce_max3A_47 : f32
    %iota3A_49 = tpu.iota {dimensions = array<i32: 1>} : vector<1x128xi32>
    %eq3A_50 = vector.broadcast %arg0 : i32 to vector<1x128xi32>
    %eq3A_51 = arith.cmpi eq, %iota3A_49, %eq3A_50 : vector<1x128xi32>
    %get3A_52 = arith.constant 0 : index
    %get3A_53 = arith.constant 0 : index
    %get3A_54 = vector.load %arg7[%get3A_52, %get3A_53] : memref<1x128xf32, #tpu.memory_space<vmem>>, vector<1x128xf32>
    %broadcast_in_dim3A_55 = vector.broadcast %add3A_48 : f32 to vector<1x128xf32>
    %select_n3A_56 = arith.select %eq3A_51, %broadcast_in_dim3A_55, %get3A_54 : vector<1x128xi1>, vector<1x128xf32>
    %swap3A_57 = arith.constant 0 : index
    %swap3A_58 = arith.constant 0 : index
    %swap3A_59 = vector.load %arg7[%swap3A_57, %swap3A_58] : memref<1x128xf32, #tpu.memory_space<vmem>>, vector<1x128xf32>
    tpu.vector_store %arg7[%swap3A_57, %swap3A_58], %select_n3A_56 {strides = array<i32>} : memref<1x128xf32, #tpu.memory_space<vmem>>, vector<1x128xf32>,
    %get3A_60 = arith.constant 0 : index
    %get3A_61 = arith.constant 0 : index
    %get3A_62 = vector.load %arg7[%get3A_60, %get3A_61] : memref<1x128xf32, #tpu.memory_space<vmem>>, vector<1x128xf32>
    %convert_element_type3A_63 = arith.fptosi %get3A_62 : vector<1x128xf32> to vector<1x128xi32>
    %reshape3A_64 = vector.shape_cast %convert_element_type3A_63 : vector<1x128xi32> to vector<1x1x128xi32>
    %swap3A_65 = arith.constant 0 : index
    %swap3A_66 = arith.constant 0 : index
    %swap3A_67 = arith.constant 0 : index
    %swap3A_68 = vector.load %arg5[%swap3A_65, %swap3A_66, %swap3A_67] : memref<1x1x128xi32, #tpu.memory_space<vmem>>, vector<1x1x128xi32>
    tpu.vector_store %arg5[%swap3A_65, %swap3A_66, %swap3A_67], %reshape3A_64 {strides = array<i32>} : memref<1x1x128xi32, #tpu.memory_space<vmem>>, vector<1x1x128xi32>,
    %swap3A_69 = arith.constant 0 : index
    %swap3A_70 = arith.constant 0 : index
    %swap3A_71 = memref.load %arg6[%swap3A_69, %swap3A_70] : memref<1x1xf32, #tpu.memory_space<smem>>
    memref.store %add3A_48, %arg6[%swap3A_69, %swap3A_70] : memref<1x1xf32, #tpu.memory_space<smem>>
    return
  }
  func.func @transform_0(%arg0: i32) -> (i32, i32) {
    %c0_i32 = arith.constant 0 : i32
    %c0_i32_0 = arith.constant 0 : i32
    return %arg0, %c0_i32 : i32, i32
  }
  func.func @transform_1(%arg0: i32) -> (i32, i32) {
    %c0_i32 = arith.constant 0 : i32
    %c0_i32_0 = arith.constant 0 : i32
    %c0_i32_1 = arith.constant 0 : i32
    return %c0_i32, %c0_i32_0 : i32, i32
  }
  func.func @transform_2(%arg0: i32) -> i32 {
    %c0_i32 = arith.constant 0 : i32
    %c0_i32_0 = arith.constant 0 : i32
    return %c0_i32 : i32
  }
  func.func @transform_3(%arg0: i32) -> (i32, i32, i32) {
    %c0_i32 = arith.constant 0 : i32
    %c0_i32_0 = arith.constant 0 : i32
    %c0_i32_1 = arith.constant 0 : i32
    return %arg0, %c0_i32, %c0_i32_0 : i32, i32, i32
  }
  func.func @transform_4(%arg0: i32) -> (i32, i32, i32) {
    %c0_i32 = arith.constant 0 : i32
    %c0_i32_0 = arith.constant 0 : i32
    %c0_i32_1 = arith.constant 0 : i32
    %c0_i32_2 = arith.constant 0 : i32
    return %c0_i32, %c0_i32_0, %c0_i32_1 : i32, i32, i32
  }
}

</mosaic_0001>

<sc_bundles>
// kernel: kernel.4.cloned.1.call-start
scs
__scs_entry_jumppad:
0x0: {  	(pc) =	sbr.rel $0x88, $3  }
0x1: {  	(tag) =	ssettag $0x0;
	lr =	simm.s32 $0x1  }
0x2: {  	[smem:$0x3F9E] =	sst lr;
	_ =	strace $0xD0000000  }
0x3: {  	_ = 	snop  }
0x4: {  	_ = 	snop  }
0x5: {  	_ = 	snop  }
0x6: {  	_ = 	snop  }
0x7: {  	_ = 	snop  }
__scs_overlays_trampoline_lowered:
0x8: {  	[smem:$0x3FAD] =	sst s0  }
0x9: {  	[smem:$0x3FAE] =	sst s1  }
0xa: {  	[smem:$0x3FAF] =	sst s2  }
0xb: {  	[smem:$0x3FB0] =	sst s3  }
0xc: {  	[smem:$0x3FB1] =	sst s4  }
0xd: {  	[smem:$0x3FB2] =	sst s5  }
0xe: {  	[smem:$0x3FB3] =	sst s6  }
0xf: {  	[smem:$0x3FB4] =	sst s7  }
0x10: {  	[smem:$0x3FB5] =	sst s8  }
0x11: {  	[smem:$0x3FB6] =	sst s9;
	s0 =	simm.s32 @!p0 $0x0  }
0x12: {  	s1 =	sld [smem:$0x3F9C];
	s0 =	simm.s32 @p0 $0x1  }
0x13: {  	[smem:$0x3FB7] =	sst s0;
	s0 =	simm.s32 @!p1 $0x0  }
0x14: {  	s2 =	sld [smem:$0x3F9B];
	s0 =	simm.s32 @p1 $0x1  }
0x15: {  	[smem:$0x3FB8] =	sst s0;
	s0 =	simm.s32 @!p2 $0x0  }
0x16: {  	s3 =	sld [smem:$0x3FDB];
	s0 =	simm.s32 @p2 $0x1  }
0x17: {  	s4 =	simm.s32 $0x1BF5;
	[smem:$0x3FBA] =	sst s0  }
0x18: {  	s0 =	sld [smem:$0x3F9D];
	_ =	swait.ge [sflag:s4], $0x0  }
0x19: {  	s7 =	sld [smem:$0x3F9E]  }
0x1a: {  	s8 =	sadd.s32 $0xFFFFE003, lr  }
0x1b: {  	s9 =	sadd.s32 $0xFFFFFEF7, lr;
	s5 =	simm.s32 $0xFFFFFFFF;
	p2 =	slt.u32 s8, $0xFFFFF086  }
0x1c: {  	p1 =	slt.u32 s9, $0xF7A;
	s5 =	simm.s32 @!p2 $0x0  }
0x1d: {  	s5 =	simm.s32 @p1 $0x1;
	p0 =	seq.s32 s7, s2  }
0x1e: {  	s7 =	smul.u32 @!p0 $0xF7A, s2;
	p2 =	seq.s32 @!p0 s5, $0x0  }
0x1f: {  	s9 =	smul.u32 $0xF7A, s1;
	s8 =	simm.s32 @!p0 $0x1BF5;
	p2 =	por !p2, p0  }
0x20: {  	[sflag:s8] =	ssyncset.s32 @!p0 $0xFFFFF086;
	s6 =	sadd.s32 @!p0 s3, s7;
	s7 =	simm.s32 @!p0 $0x108  }
0x21: {  	s3 =	sadd.s32 s3, s9;
	s6 =	sadd.s32 @!p0 $0x88, s6;
	s7 =	simm.s32 @p2 $0x1082  }
0x22: {  	[simem:s7], [sflag:s8] =	dma.local @!p0 [hbm:s6], $0xF7A  }
0x23: {  	s9 =	sor.u32 $0xD0000000, s2;
	s6 =	simm.s32 $0x108;
	_ =	swait.ge @!p0 [sflag:s8], $0x0  }
0x24: {  	s3 =	sadd.s32 $0x88, s3;
	s6 =	simm.s32 @!p1 $0x1082;
	[sflag:s4] =	ssyncset.s32 $0xFFFFF086  }
0x25: {  	[simem:s6], [sflag:s4] =	dma.local [hbm:s3], $0xF7A  }
0x26: {  	[smem:$0x3F9E] =	sst s1;
	(tag) =	ssettag s2;
	_ =	strace s9  }
0x27: {  	s1 =	sld [smem:$0x3FAE]  }
0x28: {  	s2 =	sld [smem:$0x3FAF]  }
0x29: {  	s4 =	sld [smem:$0x3FB1]  }
0x2a: {  	p0 =	seq.s32 s5, $0x0;
	s5 =	sld [smem:$0x3FB2]  }
0x2b: {  	s6 =	sld [smem:$0x3FB3]  }
0x2c: {  	s7 =	sld [smem:$0x3FB4]  }
0x2d: {  	s3 =	simm.s32 $0x108;
	s8 =	sld [smem:$0x3FB5]  }
0x2e: {  	s3 =	simm.s32 @!p0 $0x1082;
	s9 =	sld [smem:$0x3FB6]  }
0x2f: {  	lr =	sadd.s32 s0, s3;
	s0 =	sld [smem:$0x3FAD]  }
0x30: {  	s3 =	sld [smem:$0x3FB0]  }
0x31: {  	[smem:$0x3FB9] =	sst s10  }
0x32: {  	s10 =	sld [smem:$0x3FB7];
	_ =	sdelay $0x3  }
0x33: {  	p0 =	seq.s32 s10, $0x1;
	s10 =	sld [smem:$0x3FB9];
	_ =	sdelay $0x3  }
0x34: {  	[smem:$0x3FB9] =	sst s10  }
0x35: {  	s10 =	sld [smem:$0x3FB8];
	_ =	sdelay $0x3  }
0x36: {  	p1 =	seq.s32 s10, $0x1;
	s10 =	sld [smem:$0x3FB9];
	_ =	sdelay $0x3  }
0x37: {  	[smem:$0x3FB9] =	sst s10  }
0x38: {  	s10 =	sld [smem:$0x3FBA]  }
0x39: {  	_ = 	snop;
	(pc) =	sbr.ind lr, $3  }
0x3a: {  	_ = 	snop  }
0x3b: {  	_ = 	snop  }
0x3c: {  	p2 =	seq.s32 s10, $0x1;
	s10 =	sld [smem:$0x3FB9]  }
0x3d: {  	_ =	shalt  }
0x3e: {  	_ =	shalt  }
0x3f: {  	_ =	shalt  }
0x40: {  	_ =	shalt  }
0x41: {  	_ =	shalt  }
0x42: {  	_ =	shalt  }
0x43: {  	_ =	shalt  }
0x44: {  	_ =	shalt  }
0x45: {  	_ =	shalt  }
0x46: {  	_ =	shalt  }
0x47: {  	_ =	shalt  }
0x48: {  	_ =	shalt  }
0x49: {  	_ =	shalt  }
0x4a: {  	_ =	shalt  }
0x4b: {  	_ =	shalt  }
0x4c: {  	_ =	shalt  }
0x4d: {  	_ =	shalt  }
0x4e: {  	_ =	shalt  }
0x4f: {  	_ =	shalt  }
0x50: {  	_ =	shalt  }
0x51: {  	_ =	shalt  }
0x52: {  	_ =	shalt  }
0x53: {  	_ =	shalt  }
0x54: {  	_ =	shalt  }
0x55: {  	_ =	shalt  }
0x56: {  	_ =	shalt  }
0x57: {  	_ =	shalt  }
0x58: {  	_ =	shalt  }
0x59: {  	_ =	shalt  }
0x5a: {  	_ =	shalt  }
0x5b: {  	_ =	shalt  }
0x5c: {  	_ =	shalt  }
0x5d: {  	_ =	shalt  }
0x5e: {  	_ =	shalt  }
0x5f: {  	_ =	shalt  }
0x60: {  	_ =	shalt  }
0x61: {  	_ =	shalt  }
0x62: {  	_ =	shalt  }
0x63: {  	_ =	shalt  }
0x64: {  	_ =	shalt  }
0x65: {  	_ =	shalt  }
0x66: {  	_ =	shalt  }
0x67: {  	_ =	shalt  }
0x68: {  	_ =	shalt  }
0x69: {  	_ =	shalt  }
0x6a: {  	_ =	shalt  }
0x6b: {  	_ =	shalt  }
0x6c: {  	_ =	shalt  }
0x6d: {  	_ =	shalt  }
0x6e: {  	_ =	shalt  }
0x6f: {  	_ =	shalt  }
0x70: {  	_ =	shalt  }
0x71: {  	_ =	shalt  }
0x72: {  	_ =	shalt  }
0x73: {  	_ =	shalt  }
0x74: {  	_ =	shalt  }
0x75: {  	_ =	shalt  }
0x76: {  	_ =	shalt  }
0x77: {  	_ =	shalt  }
0x78: {  	_ =	shalt  }
0x79: {  	_ =	shalt  }
0x7a: {  	_ =	shalt  }
0x7b: {  	_ =	shalt  }
0x7c: {  	_ =	shalt  }
0x7d: {  	_ =	shalt  }
0x7e: {  	_ =	shalt  }
0x7f: {  	_ =	shalt  }
0x80: {  	_ =	shalt  }
0x81: {  	_ =	shalt  }
0x82: {  	_ =	shalt  }
0x83: {  	_ =	shalt  }
0x84: {  	_ =	shalt  }
0x85: {  	_ =	shalt  }
0x86: {  	_ =	shalt  }
0x87: {  	_ =	shalt  }
.Lfunc_end0:
.L_simem_size_0:
called_computation_lowered:
.L_overlay_start_0:
0x88: {  	s2 =	sld [smem:$0x3FD9]  }
0x89: {  	s3 =	sld [smem:$0x3FFE];
	_ =	sdelay $0x1  }
0x8a: {  	s1 =	srdreg.scid  }
0x8b: {  	s0 =	sand.u32 $0x1, s1  }
0x8c: {  	s17 =	sshll.u32 s0, $0xA;
	s2 =	sadd.s32 s3, s2  }
0x8d: {  	s2 =	sadd.s32 s2, s17  }
0x8e: {  	[smem:$0x3FC5] =	sst s2  }
0x8f: {  	_ = 	snop  }
0x90: {  	s2 =	sld [smem:$0x3FC9]  }
0x91: {  	s18 =	sld [smem:$0x3FD0];
	(tm) =	ssettm $0x1  }
0x92: {  	s4 =	sld [smem:$0x3FFB];
	_ =	sdelay $0x3  }
0x93: {  	_ =	strace s4  }
0x94: {  	s4 =	sld [smem:$0x3FFC];
	_ =	sdelay $0x3  }
0x95: {  	_ =	strace s4  }
0x96: {  	s4 =	sld [smem:$0x3FFD];
	_ =	sdelay $0x3  }
0x97: {  	_ =	strace s4  }
0x98: {  	_ =	strace $0x8FFFFFFF  }
0x99: {  	s19 =	sld [smem:$0x3FDB];
	_ =	sdelay $0x1  }
0x9a: {  	s5 =	simm.s32 $_scs_section_size  }
0x9b: {  	s6 =	simm.s32 $_size__tile_overlayer_lowered;
	s7 =	simm.s32 $_tile_overlayer_lowered  }
0x9c: {  	s22 =	simm.s32 $0x1BFF;
	s21 =	sshll.u32 s7, $0x1;
	s4 =	sadd.s32 s5, s19  }
0x9d: {  	s8 =	simm.s32 $0x0;
	s20 =	sshll.u32 s6, $0x1;
	s6 =	sadd.s32 s21, s4  }
0x9e: {  	[timem:s8], [sflag:s22] =	dma.local [hbm:s6], s20  }
0x9f: {  	_ =	swait.ge [sflag:s22], s20  }
0xa0: {  	s5 =	ssub.s32 $0x0, s20;
	[sflag:s22] =	ssyncset.done $0x0  }
0xa1: {  	[sflag:s22] =	ssyncadd.s32 s5;
	_ =	sdelay $0x1  }
0xa2: {  	s23 =	simm.s32 $0x1B8B  }
0xa3: {  	_ =	swait.ge [sflag:s23], $0x1  }
0xa4: {  	[sflag:s23] =	ssyncset.done $0x0  }
0xa5: {  	s25 =	simm.s32 $0x1B8E;
	s24 =	sld [smem:$0x3FFE];
	[sflag:s23] =	ssyncadd.s32 $0xFFFFFFFF  }
0xa6: {  	s26 =	simm.s32 $execute0_lowered;
	[smem:$0x3FD2] =	sst s25  }
0xa7: {  	s6 =	sshll.u32 s26, $0x1;
	_ =	strace $0x80000046;
	[dreg:$0x1] =	wrdreg $0xFFFFFFFF  }
0xa8: {  	s28 =	simm.s32 $_size_execute0_lowered;
	s4 =	sadd.s32 s4, s6;
	[dreg:$0x0] =	wrdreg $0x0  }
0xa9: {  	s6 =	sshll.u32 s28, $0x1;
	[dreg:$0x2] =	wrdreg s4  }
0xaa: {  	[dreg:$0x3] =	wrdreg s6  }
0xab: {  	[dreg:$0x4] =	wrdreg $0xC0  }
0xac: {  	_ =	task [dreg:s8], $0x5FFFF  }
0xad: {  	[dreg:$0x1] =	wrdreg $0xFFFFFFFF  }
0xae: {  	[dreg:$0x0] =	wrdreg $0x60  }
0xaf: {  	[dreg:$0x2] =	wrdreg s2  }
0xb0: {  	[dreg:$0x3] =	wrdreg s24  }
0xb1: {  	[dreg:$0x4] =	wrdreg s18  }
0xb2: {  	[dreg:$0x5] =	wrdreg $0x74000  }
0xb3: {  	[dreg:$0x6] =	wrdreg $0x9  }
0xb4: {  	_ =	task.clear_ibuf [dreg:s8], $0x7FFFF;
	_ =	strace $0x90000046  }
0xb5: {  	s29 =	simm.s32 $0x9;
	_ =	strace $0x80000048  }
0xb6: {  	_ =	swait.ge [sflag:s29], $0x1  }
0xb7: {  	[sflag:s29] =	ssyncadd.s32 $0xFFFFFFFF  }
0xb8: {  	_ =	strace $0x90000048  }
0xb9: {  	_ =	sfence  }
0xba: {  	s30 =	sld [smem:$0x0];
	_ =	sdelay $0x2  }
0xbb: {  	s31 =	sshll.u32 s1, $0xD;
	s1 =	sshrl.u32 s1, $0x2  }
0xbc: {  	s3 =	sand.u32 $0x4000, s31;
	s1 =	sadd.s32 s1, s30  }
0xbd: {  	s0 =	sor.u32 s3, s0;
	s1 =	sshll.u32 s1, $0x11  }
0xbe: {  	s0 =	sor.u32 s1, s0  }
0xbf: {  	s0 =	sadd.s32 $0x8F2B, s0  }
0xc0: {  	[sflag:s0] =	ssyncadd.remote.s32 $0x1  }
0xc1: {  	_ =	sfence.sel $0xFFFF  }
0xc2: {  	[dreg:$0x0] =	wrdreg $0xFFFFFFFF;
	(pc) =	sbr.abs _section_cstart, $3  }
0xc3: {  	[dreg:$0x1] =	wrdreg $0xFFFFFFFF  }
0xc4: {  	_ =	task.clear_ibuf [dreg:s8], $0x2FFFF;
	_ =	strace $0x9FFFFFFF  }
0xc5: {  	(tm) =	ssettm $0x7FFFFFFF  }
tec
execute0_lowered:
.L_overlay_start_1:
0x0: {  	(tag) =	ssettag $0x1  }
0x1: {  	s1 =	rddreg [dreg:$0x0]  }
0x2: {  	s0 =	rddreg [dreg:$0x1]  }
0x3: {  	s3 =	rddreg [dreg:$0x2]  }
0x4: {  	s4 =	rddreg [dreg:$0x3];
	s2 =	srdreg.scid  }
0x5: {  	s13 =	stileid.u32;
	s5 =	simm.s32 $0x0;
	s11 =	simm.s32 $0x18  }
0x6: {  	s17 =	simm.s32 $0x2;
	s18 =	simm.s32 $0x1;
	s19 =	simm.s32 $0x250  }
0x7: {  	s15 =	simm.s32 $0x300;
	s16 =	simm.s32 $0x580;
	s23 =	simm.s32 $0x3  }
0x8: {  	s24 =	simm.s32 $0x3400;
	s2 =	sand.u32 $0x1, s2;
	s6 =	sshll.u32 s13, $0x1  }
0x9: {  	[smem:$0x7FF] =	sst s5;
	s7 =	sadd.s32 $0x600, s0;
	s12 =	smul.u32 $0xDE0, s13  }
0xa: {  	s0 =	sadd.s32 $0x400, s0;
	s13 =	smul.u32 $0x4A0, s13;
	s30 =	sadd.s32 $0x124C00, s3  }
0xb: {  	s8 =	sor.u32 s2, s6;
	_ =	strace $0x80000047;
	[dreg:$0x5] =	wrdreg s0  }
0xc: {  	s9 =	ssub.s32 $0x2, s2;
	s2 =	smul.u32 $0xFFFFFDB0, s2;
	[dreg:$0x8] =	wrdreg s30  }
0xd: {  	s6 =	smul.u32 $0x250, s8;
	s10 =	sshrl.u32 s9, $0x1;
	s14 =	sadd.s32 s12, s4  }
.Ltmp0:
0xe: {  	v7 =	vlaneseq.u32;
	v10 =	vimm.f32 $0.0e+00;
	s29 =	sadd.s32 $0x4A0, s12;
	p0 =	seq.s32 s8, $0x1F;
	(pc) =	sbr.rel .LBB2_1-.Ltmp0, $4  }
0xf: {  	v9 =	vor.u32 $0x250, v7;
	v4 =	vmov s12;
	s28 =	ssub.s32 s9, s10;
	[dreg:$0x6] =	wrdreg s14;
	s14 =	sadd.s32 $0x4A0, s14;
	v1 =	vmov s29  }
0x10: {  	s31 =	ssub.s32 s2, s13;
	s9 =	sadd.s32 $0x250, s6;
	[dreg:$0x7] =	wrdreg s14;
	v0 =	vmov s6;
	v5 =	vor.u32 $0x1, v1;
	v6 =	vor.u32 $0x2, v1  }
0x11: {  	s11 =	simm.s32 @!p0 $0x25;
	s0 =	smax.u32 s28, $0x1;
	[dreg:$0xa] =	wrdreg s31;
	v8 =	vor.u32 $0x3, v1;
	v2 =	vmov s9;
	v5 =	vbroadcast v5, $0x0  }
0x12: {  	p0 =	sne.s32 s8, $0x1F;
	s2 =	simm.s32 $0x0;
	[dreg:$0x9] =	wrdreg s0;
	v3 =	vxor.u32 $0xFFFFFFFF, v0;
	v6 =	vbroadcast v6, $0x0;
	v8 =	vbroadcast v8, $0x0  }
.LBB2_37:
0x13: {  	[tilespmem:s10+$0x1400] =	vst v10  }
.LBB2_38:
0x14: {  	s0 =	rddreg [dreg:$0x8];
	s2 =	simm.s32 $0x1400  }
0x15: {  	[hbm4b:s0+s5] =	stream.linear.scatter [tilespmem:s2], [sflag:$0x2], $0x1C00, $0x38;
	[tilespmem:$0x81E0] =	vst v63  }
0x16: {  	_ =	swait.ge [sflag:s17], $0x1C00  }
0x17: {  	[sflag:s17] =	ssyncset.done $0x0  }
0x18: {  	s2 =	rddreg [dreg:$0xb];
	[sflag:s17] =	ssyncadd.s32 $0xFFFFE400  }
.LBB2_39:
0x19: {  	s2 =	sadd.s32 $0x1, s2;
	s0 =	rddreg [dreg:$0x9]  }
0x1a: {  	p1 =	sne.s32 s2, s0  }
.Ltmp1:
0x1b: {  	_ = 	snop;
	(pc) =	sbr.rel @!p1 .LBB2_40-.Ltmp1, $1  }
0x1c: {  	_ =	sdelay $0x3  }
.LBB2_1:
0x1d: {  	[dreg:$0xb] =	wrdreg s2  }
0x1e: {  	s0 =	rddreg [dreg:$0x5];
	s26 =	simm.s32 $0x280  }
0x1f: {  	[tilespmem:s26], [sflag:$0x2] =	stream.linear.gather [hbm4b:s0+s5], $0x20, $0x38;
	[tilespmem:$0x81E0] =	vst v63  }
0x20: {  	_ =	swait.ge [sflag:s17], $0x20  }
0x21: {  	[sflag:s17] =	ssyncset.done $0x0  }
0x22: {  	[sflag:s17] =	ssyncadd.s32 $0xFFFFFFE0  }
0x23: {  	v11 =	vld [tilespmem:$0x290]  }
0x24: {  	v12 =	vld [tilespmem:$0x280];
	_ =	sdelay $0x3  }
0x25: {  	(v2sf) =	vpush v11, $0xF  }
0x26: {  	(v2sf) =	vpush v12, $0x0  }
0x27: {  	(v2sf) =	vpush v12, $0x1;
	_ =	sdelay $0x1  }
0x28: {  	(v2sf) =	vpush v12, $0x2  }
0x29: {  	(v2sf) =	vpush v12, $0x3  }
0x2a: {  	(v2sf) =	vpush v12, $0x4;
	_ =	sdelay $0x8  }
0x2b: {  	s29 =	spop (v2sf);
	(v2sf) =	vpush v12, $0x5  }
0x2c: {  	s8 =	simm.s32 $0x1;
	s12 =	simm.s32 $0x1;
	s28 =	spop (v2sf);
	(v2sf) =	vpush v12, $0x6  }
0x2d: {  	s2 =	simm.s32 $0x1;
	s30 =	spop (v2sf);
	p1 =	sle.s32 s28, s6;
	(v2sf) =	vpush v12, $0x7  }
0x2e: {  	s0 =	simm.s32 $0x2;
	s8 =	simm.s32 @!p1 $0x0;
	p1 =	slt.s32 s28, s9  }
0x2f: {  	s10 =	spop (v2sf);
	(v2sf) =	vpush v12, $0x8;
	s0 =	simm.s32 @!p1 $0x1;
	p1 =	sle.s32 s30, s6  }
0x30: {  	s13 =	spop (v2sf);
	(v2sf) =	vpush v12, $0x9;
	s12 =	simm.s32 @!p1 $0x0;
	p1 =	slt.s32 s30, s9  }
0x31: {  	s31 =	spop (v2sf);
	s8 =	sadd.s32 s12, s8;
	s2 =	simm.s32 @!p1 $0x0  }
0x32: {  	p1 =	sle.s32 s10, s6;
	s12 =	simm.s32 $0x1;
	p2 =	sle.s32 s31, s6  }
0x33: {  	s0 =	sadd.s32 s2, s0;
	s12 =	simm.s32 @!p1 $0x0;
	p1 =	slt.s32 s10, s9  }
0x34: {  	s10 =	simm.s32 $0x1;
	s2 =	simm.s32 $0x1;
	s8 =	sadd.s32 s12, s8  }
0x35: {  	s10 =	simm.s32 @!p1 $0x0;
	p1 =	sle.s32 s13, s6;
	s12 =	simm.s32 $0x1  }
0x36: {  	s0 =	sadd.s32 s10, s0;
	s12 =	simm.s32 @!p1 $0x0;
	p1 =	slt.s32 s13, s9  }
0x37: {  	s10 =	simm.s32 $0x1;
	s13 =	simm.s32 $0x1;
	s8 =	sadd.s32 s12, s8  }
0x38: {  	s10 =	simm.s32 @!p1 $0x0;
	s13 =	simm.s32 @!p2 $0x0;
	p1 =	slt.s32 s31, s9  }
0x39: {  	s12 =	simm.s32 $0x1;
	s0 =	sadd.s32 s10, s0;
	s8 =	sadd.s32 s13, s8  }
0x3a: {  	s2 =	simm.s32 @!p1 $0x0;
	s13 =	simm.s32 $0x1;
	s14 =	spop (v2sf);
	(v2sf) =	vpush v12, $0xA  }
0x3b: {  	s10 =	simm.s32 $0x1;
	s20 =	spop (v2sf);
	(v2sf) =	vpush v12, $0xB;
	p1 =	sle.s32 s14, s6  }
0x3c: {  	s0 =	sadd.s32 s2, s0;
	s13 =	simm.s32 @!p1 $0x0;
	s21 =	spop (v2sf);
	(v2sf) =	vpush v12, $0xC  }
0x3d: {  	s2 =	simm.s32 $0x1;
	p1 =	slt.s32 s14, s9;
	s8 =	sadd.s32 s13, s8  }
0x3e: {  	s10 =	simm.s32 @!p1 $0x0;
	p1 =	sle.s32 s20, s6;
	s22 =	spop (v2sf);
	(v2sf) =	vpush v12, $0xD  }
0x3f: {  	s13 =	simm.s32 $0x1;
	s0 =	sadd.s32 s10, s0;
	s25 =	spop (v2sf);
	(v2sf) =	vpush v12, $0xE  }
0x40: {  	s13 =	simm.s32 @!p1 $0x0;
	p1 =	slt.s32 s20, s9;
	s10 =	simm.s32 $0x1  }
0x41: {  	s8 =	sadd.s32 s13, s8;
	s12 =	simm.s32 @!p1 $0x0;
	p1 =	sle.s32 s21, s6  }
0x42: {  	s13 =	simm.s32 $0x1;
	p2 =	sle.s32 s25, s6;
	s0 =	sadd.s32 s12, s0  }
0x43: {  	s13 =	simm.s32 @!p1 $0x0;
	p1 =	slt.s32 s21, s9;
	s10 =	simm.s32 @!p2 $0x0  }
0x44: {  	s12 =	simm.s32 $0x1;
	s8 =	sadd.s32 s13, s8;
	s2 =	simm.s32 @!p1 $0x0  }
0x45: {  	p1 =	sle.s32 s22, s6;
	s13 =	simm.s32 $0x1;
	s0 =	sadd.s32 s2, s0  }
0x46: {  	s13 =	simm.s32 @!p1 $0x0;
	p1 =	slt.s32 s22, s9;
	s2 =	simm.s32 $0x1  }
0x47: {  	s8 =	sadd.s32 s13, s8;
	s2 =	simm.s32 @!p1 $0x0;
	p1 =	slt.s32 s25, s9  }
0x48: {  	s13 =	simm.s32 $0x1;
	s0 =	sadd.s32 s2, s0;
	s26 =	sadd.s32 s10, s8  }
0x49: {  	s10 =	simm.s32 $0x1;
	s8 =	simm.s32 $0x1;
	s28 =	spop (v2sf);
	(v2sf) =	vpush v12, $0xF  }
0x4a: {  	s10 =	simm.s32 @!p1 $0x0;
	s30 =	spop (v2sf);
	(v2sf) =	vpush v11, $0x0;
	p1 =	sle.s32 s28, s6  }
0x4b: {  	s13 =	simm.s32 @!p1 $0x0;
	s31 =	spop (v2sf);
	(v2sf) =	vpush v11, $0x1;
	p1 =	slt.s32 s28, s9  }
0x4c: {  	s0 =	sadd.s32 s10, s0;
	s2 =	sadd.s32 s13, s26;
	s8 =	simm.s32 @!p1 $0x0  }
0x4d: {  	p1 =	sle.s32 s30, s6;
	s13 =	simm.s32 $0x1;
	s14 =	spop (v2sf);
	(v2sf) =	vpush v11, $0x2  }
0x4e: {  	s10 =	simm.s32 $0x1;
	s13 =	simm.s32 @!p1 $0x0;
	s20 =	spop (v2sf);
	(v2sf) =	vpush v11, $0x3  }
0x4f: {  	s0 =	sadd.s32 s8, s0;
	p1 =	slt.s32 s30, s9;
	s2 =	sadd.s32 s13, s2  }
0x50: {  	s12 =	simm.s32 @!p1 $0x0;
	p1 =	sle.s32 s31, s6;
	s13 =	simm.s32 $0x1  }
0x51: {  	s8 =	simm.s32 $0x1;
	p2 =	sle.s32 s20, s6;
	s13 =	simm.s32 @!p1 $0x0  }
0x52: {  	s0 =	sadd.s32 s12, s0;
	p1 =	slt.s32 s31, s9;
	s2 =	sadd.s32 s13, s2  }
0x53: {  	s10 =	simm.s32 @!p1 $0x0;
	p1 =	sle.s32 s14, s6;
	s13 =	simm.s32 $0x1  }
0x54: {  	s12 =	simm.s32 $0x1;
	s0 =	sadd.s32 s10, s0;
	s13 =	simm.s32 @!p1 $0x0  }
0x55: {  	p1 =	slt.s32 s14, s9;
	s10 =	simm.s32 $0x1;
	s2 =	sadd.s32 s13, s2  }
0x56: {  	s8 =	simm.s32 @!p1 $0x0;
	s10 =	simm.s32 @!p2 $0x0;
	p1 =	slt.s32 s20, s9  }
0x57: {  	s13 =	simm.s32 $0x1;
	s0 =	sadd.s32 s8, s0;
	s2 =	sadd.s32 s10, s2  }
0x58: {  	s10 =	simm.s32 $0x1;
	s8 =	simm.s32 $0x1;
	s21 =	spop (v2sf);
	(v2sf) =	vpush v11, $0x4  }
0x59: {  	s10 =	simm.s32 @!p1 $0x0;
	s22 =	spop (v2sf);
	(v2sf) =	vpush v11, $0x5;
	p1 =	sle.s32 s21, s6  }
0x5a: {  	s13 =	simm.s32 @!p1 $0x0;
	s25 =	spop (v2sf);
	(v2sf) =	vpush v11, $0x6;
	p1 =	slt.s32 s21, s9  }
0x5b: {  	s0 =	sadd.s32 s10, s0;
	s2 =	sadd.s32 s13, s2;
	s8 =	simm.s32 @!p1 $0x0  }
0x5c: {  	p1 =	sle.s32 s22, s6;
	s13 =	simm.s32 $0x1;
	s26 =	spop (v2sf);
	(v2sf) =	vpush v11, $0x7  }
0x5d: {  	s10 =	simm.s32 $0x1;
	s13 =	simm.s32 @!p1 $0x0;
	s28 =	spop (v2sf);
	(v2sf) =	vpush v11, $0x8  }
0x5e: {  	s0 =	sadd.s32 s8, s0;
	p1 =	slt.s32 s22, s9;
	s2 =	sadd.s32 s13, s2  }
0x5f: {  	s12 =	simm.s32 @!p1 $0x0;
	p1 =	sle.s32 s25, s6;
	s13 =	simm.s32 $0x1  }
0x60: {  	s8 =	simm.s32 $0x1;
	p2 =	sle.s32 s28, s6;
	s13 =	simm.s32 @!p1 $0x0  }
0x61: {  	s0 =	sadd.s32 s12, s0;
	p1 =	slt.s32 s25, s9;
	s2 =	sadd.s32 s13, s2  }
0x62: {  	s10 =	simm.s32 @!p1 $0x0;
	p1 =	sle.s32 s26, s6;
	s13 =	simm.s32 $0x1  }
0x63: {  	s12 =	simm.s32 $0x1;
	s0 =	sadd.s32 s10, s0;
	s13 =	simm.s32 @!p1 $0x0  }
0x64: {  	p1 =	slt.s32 s26, s9;
	s10 =	simm.s32 $0x1;
	s2 =	sadd.s32 s13, s2  }
0x65: {  	s8 =	simm.s32 @!p1 $0x0;
	s10 =	simm.s32 @!p2 $0x0;
	p1 =	slt.s32 s28, s9  }
0x66: {  	s13 =	simm.s32 $0x1;
	s0 =	sadd.s32 s8, s0;
	s2 =	sadd.s32 s10, s2  }
0x67: {  	s10 =	simm.s32 $0x1;
	s8 =	simm.s32 $0x1;
	s30 =	spop (v2sf);
	(v2sf) =	vpush v11, $0x9  }
0x68: {  	s10 =	simm.s32 @!p1 $0x0;
	s31 =	spop (v2sf);
	(v2sf) =	vpush v11, $0xA;
	p1 =	sle.s32 s30, s6  }
0x69: {  	s13 =	simm.s32 @!p1 $0x0;
	s14 =	spop (v2sf);
	(v2sf) =	vpush v11, $0xB;
	p1 =	slt.s32 s30, s9  }
0x6a: {  	s0 =	sadd.s32 s10, s0;
	s2 =	sadd.s32 s13, s2;
	s8 =	simm.s32 @!p1 $0x0  }
0x6b: {  	p1 =	sle.s32 s31, s6;
	s13 =	simm.s32 $0x1;
	s20 =	spop (v2sf);
	(v2sf) =	vpush v11, $0xC  }
0x6c: {  	s10 =	simm.s32 $0x1;
	s13 =	simm.s32 @!p1 $0x0;
	s21 =	spop (v2sf);
	(v2sf) =	vpush v11, $0xD  }
0x6d: {  	s0 =	sadd.s32 s8, s0;
	p1 =	slt.s32 s31, s9;
	s2 =	sadd.s32 s13, s2  }
0x6e: {  	s12 =	simm.s32 @!p1 $0x0;
	p1 =	sle.s32 s14, s6;
	s13 =	simm.s32 $0x1  }
0x6f: {  	s8 =	simm.s32 $0x1;
	p2 =	sle.s32 s21, s6;
	s13 =	simm.s32 @!p1 $0x0  }
0x70: {  	s0 =	sadd.s32 s12, s0;
	p1 =	slt.s32 s14, s9;
	s2 =	sadd.s32 s13, s2  }
0x71: {  	s10 =	simm.s32 @!p1 $0x0;
	p1 =	sle.s32 s20, s6;
	s13 =	simm.s32 $0x1  }
0x72: {  	s12 =	simm.s32 $0x1;
	s0 =	sadd.s32 s10, s0;
	s13 =	simm.s32 @!p1 $0x0  }
0x73: {  	p1 =	slt.s32 s20, s9;
	s10 =	simm.s32 $0x1;
	s2 =	sadd.s32 s13, s2  }
0x74: {  	s8 =	simm.s32 @!p1 $0x0;
	s10 =	simm.s32 @!p2 $0x0;
	p1 =	slt.s32 s21, s9  }
0x75: {  	s13 =	simm.s32 $0x1;
	s0 =	sadd.s32 s8, s0;
	s2 =	sadd.s32 s10, s2  }
0x76: {  	s8 =	simm.s32 $0x1;
	s10 =	simm.s32 $0x1;
	s22 =	spop (v2sf);
	(v2sf) =	vpush v11, $0xE  }
0x77: {  	s8 =	simm.s32 @!p1 $0x0;
	s25 =	spop (v2sf);
	p1 =	sle.s32 s22, s6  }
0x78: {  	s0 =	sadd.s32 s8, s0;
	s26 =	spop (v2sf);
	s12 =	simm.s32 @!p1 $0x0  }
0x79: {  	p1 =	slt.s32 s22, s9;
	s2 =	sadd.s32 s12, s2;
	s12 =	simm.s32 $0x1  }
0x7a: {  	s8 =	simm.s32 $0x1;
	s28 =	spop (v2sf);
	s12 =	simm.s32 @!p1 $0x0  }
0x7b: {  	p1 =	sle.s32 s25, s6;
	s30 =	spop (v2sf);
	s0 =	sadd.s32 s12, s0  }
0x7c: {  	s13 =	simm.s32 @!p1 $0x0;
	p1 =	slt.s32 s25, s9;
	p2 =	sle.s32 s30, s6  }
0x7d: {  	s12 =	simm.s32 $0x1;
	s2 =	sadd.s32 s13, s2;
	s10 =	simm.s32 @!p1 $0x0  }
0x7e: {  	p1 =	sle.s32 s26, s6;
	s13 =	simm.s32 $0x1;
	s12 =	simm.s32 @!p2 $0x0  }
0x7f: {  	p2 =	sle.s32 s29, s6;
	s13 =	simm.s32 @!p1 $0x0;
	p1 =	slt.s32 s26, s9  }
0x80: {  	s0 =	sadd.s32 s10, s0;
	s2 =	sadd.s32 s13, s2;
	s8 =	simm.s32 @!p1 $0x0  }
0x81: {  	p1 =	sle.s32 s28, s6;
	s13 =	simm.s32 $0x1;
	s0 =	sadd.s32 s8, s0  }
0x82: {  	s13 =	simm.s32 @!p1 $0x0;
	p1 =	slt.s32 s28, s9;
	s8 =	simm.s32 $0x1  }
0x83: {  	s10 =	simm.s32 $0x1;
	s2 =	sadd.s32 s13, s2;
	s8 =	simm.s32 @!p1 $0x0  }
0x84: {  	p1 =	slt.s32 s30, s9;
	s0 =	sadd.s32 s8, s0;
	s8 =	simm.s32 $0x1  }
0x85: {  	s2 =	sadd.s32 s12, s2;
	s8 =	simm.s32 @!p1 $0x0;
	s31 =	spop (v2sf)  }
0x86: {  	s12 =	simm.s32 $0x1;
	s0 =	sadd.s32 s8, s0;
	p1 =	sle.s32 s31, s6  }
0x87: {  	s8 =	simm.s32 $0x1;
	s12 =	simm.s32 @!p1 $0x0;
	p1 =	slt.s32 s31, s9  }
0x88: {  	s10 =	simm.s32 @!p2 $0x0;
	s2 =	sadd.s32 s12, s2;
	s8 =	simm.s32 @!p1 $0x0  }
0x89: {  	s0 =	sadd.s32 s8, s0;
	s2 =	sadd.s32 s10, s2  }
0x8a: {  	p1 =	sge.u32 s2, s0  }
.Ltmp2:
0x8b: {  	_ = 	snop;
	(pc) =	sbr.rel @p1 .LBB2_5-.Ltmp2, $1  }
0x8c: {  	_ =	sdelay $0x3  }
.LBB2_2:
0x8d: {  	s8 =	smul.u32 $0x250, s2;
	_ =	sdelay $0x1  }
0x8e: {  	s10 =	sshrl.u32 s8, $0x3  }
0x8f: {  	s13 =	simm.s32 $0x0;
	s10 =	sadd.s32 s7, s10  }
0x90: {  	[tilespmem:s13], [sflag:$0x2] =	stream.linear.gather [hbm4b:s10+s13], $0x250, $0x38;
	[tilespmem:$0x81E0] =	vst v63  }
0x91: {  	_ =	swait.ge [sflag:s17], $0x250  }
0x92: {  	[sflag:s17] =	ssyncset.done $0x0  }
0x93: {  	[sflag:s17] =	ssyncadd.s32 $0xFFFFFDB0  }
0x94: {  	v11 =	vld [tilespmem:s13+$0x0];
	_ =	sdelay $0x4  }
0x95: {  	vm0 =	vgt.s32 v11, v0;
	vm1 =	vle.s32 v11, v2  }
0x96: {  	v12 =	vadd.s32 s13, v9;
	v11 =	vadd.s32 v3, v11;
	vm0 =	vmand vm0, vm1  }
0x97: {  	v12 =	vsel vm0, v11, v12  }
0x98: {  	s12 =	simm.s32 $0x300;
	v11 =	vor.u32 s8, v7;
	v12 =	vadd.s32 v4, v12  }
0x99: {  	s8 =	simm.s32 $0x580;
	[tilespmem:s12+$0x0] =	vst v12;
	v12 =	vadd.s32 s13, v11  }
0x9a: {  	s13 =	simm.s32 $0x10;
	[tilespmem:s8+$0x0] =	vst v12  }
0x9b: {  	v12 =	vld [tilespmem:s13+$0x0]  }
0x9c: {  	s14 =	simm.s32 $0x10;
	s10 =	simm.s32 $0x20  }
.LBB2_3:
0x9d: {  	p1 =	sne.s32 s10, $0x240;
	_ =	sdelay $0x2  }
0x9e: {  	vm0 =	vgt.s32 v12, v0;
	vm1 =	vle.s32 v12, v2  }
0x9f: {  	v13 =	vadd.s32 s13, v9;
	v12 =	vadd.s32 v3, v12;
	vm0 =	vmand vm0, vm1  }
0xa0: {  	v12 =	vsel vm0, v12, v13  }
.Ltmp3:
0xa1: {  	s12 =	sadd.s32 $0x10, s12;
	v12 =	vadd.s32 v4, v12;
	(pc) =	sbr.rel @p1 .LBB2_3-.Ltmp3, $4  }
0xa2: {  	s8 =	sadd.s32 $0x10, s8;
	[tilespmem:s12+$0x0] =	vst v12;
	v12 =	vadd.s32 s13, v11;
	s13 =	smov.u32 s10  }
0xa3: {  	s14 =	sadd.s32 $0x10, s14;
	[tilespmem:s8+$0x0] =	vst v12  }
0xa4: {  	v12 =	vld [tilespmem:s14+$0x0]  }
0xa5: {  	s10 =	sadd.s32 $0x10, s10  }
0xa6: {  	_ =	sdelay $0x2  }
0xa7: {  	vm0 =	vgt.s32 v12, v0;
	vm1 =	vle.s32 v12, v2  }
0xa8: {  	v13 =	vadd.s32 s13, v9;
	v63 =	vadd.s32 v3, v12;
	vm0 =	vmand vm0, vm1  }
0xa9: {  	v12 =	vsel vm0, v63, v13  }
0xaa: {  	s10 =	sadd.s32 $0x10, s12;
	s2 =	sadd.s32 $0x1, s2;
	v12 =	vadd.s32 v4, v12  }
0xab: {  	v11 =	vadd.s32 s13, v11;
	s8 =	sadd.s32 $0x10, s8;
	p1 =	slt.u32 s2, s0;
	[tilespmem:s10+$0x0] =	vst v12  }
.Ltmp4:
0xac: {  	[tilespmem:s8+$0x0] =	vst v11;
	(pc) =	sbr.rel @p1 .LBB2_2-.Ltmp4, $4  }
0xad: {  	[spmem:s4] =	stream.indirect.scatter [tilespmem:s16], [sflag:$0x1], $0x1, s15, s19, $0xb8;
	[tilespmem:$0x81E0] =	vst v63  }
0xae: {  	_ =	swait.ge [sflag:s18], $0x250  }
0xaf: {  	[sflag:s18] =	ssyncset.done $0x0  }
0xb0: {  	[sflag:s18] =	ssyncadd.s32 $0xFFFFFDB0  }
.LBB2_5:
0xb1: {  	s0 =	simm.s32 $0x800;
	s2 =	rddreg [dreg:$0x6]  }
0xb2: {  	[tilespmem:s0], [sflag:$0x2] =	stream.linear.gather [spmem:s2], $0x250, $0x38;
	[tilespmem:$0x81E0] =	vst v63  }
0xb3: {  	_ =	swait.ge [sflag:s17], $0x250  }
0xb4: {  	[sflag:s17] =	ssyncset.done $0x0  }
0xb5: {  	[sflag:s17] =	ssyncadd.s32 $0xFFFFFDB0  }
0xb6: {  	v11 =	vld [tilespmem:s0+$0x0];
	_ =	sdelay $0x2  }
0xb7: {  	s13 =	ssub.s32 s29, s6  }
0xb8: {  	p1 =	sgt.s32 s13, $0x0;
	s0 =	smov.u32 s13  }
0xb9: {  	s30 =	simm.s32 $0x0;
	s0 =	simm.s32 @!p1 $0x0;
	vm0 =	vgt.s32 v11, $0x0  }
0xba: {  	v12 =	vor.u32 s30, v7;
	s31 =	smin.u32 s0, $0x250;
	v13 =	vnsel vm0, $0x0, v11  }
0xbb: {  	v14 =	vshll.u32 v12, $0x2;
	v11 =	vmov s31;
	v13 =	vmin.u32 v13, $0x493D  }
0xbc: {  	s0 =	simm.s32 $0x300;
	vm15 =	vlt.u32 v12, v11;
	v12 =	vadd.s32 v1, v14;
	v13 =	vshll.u32 v13, $0x2  }
0xbd: {  	s2 =	simm.s32 $0x580;
	[tilespmem:s0+$0x0] =	vst v12;
	v12 =	vnsel vm15, $0x0, v13  }
0xbe: {  	s8 =	simm.s32 $0x810;
	[tilespmem:s2+$0x0] =	vst v12  }
0xbf: {  	s10 =	simm.s32 $0x10;
	s12 =	simm.s32 $0x20;
	v12 =	vld [tilespmem:s8+$0x0]  }
.LBB2_6:
0xc0: {  	p1 =	sne.s32 s12, $0x240;
	_ =	sdelay $0x3  }
0xc1: {  	vm0 =	vgt.s32 v12, $0x0  }
0xc2: {  	v13 =	vor.u32 s10, v7;
	s10 =	smov.u32 s12;
	v12 =	vnsel vm0, $0x0, v12  }
.Ltmp5:
0xc3: {  	v14 =	vshll.u32 v13, $0x2;
	v12 =	vmin.u32 v12, $0x493D;
	(pc) =	sbr.rel @p1 .LBB2_6-.Ltmp5, $4  }
0xc4: {  	s0 =	sadd.s32 $0x10, s0;
	vm0 =	vlt.u32 v13, v11;
	v13 =	vadd.s32 v1, v14;
	v12 =	vshll.u32 v12, $0x2  }
0xc5: {  	s2 =	sadd.s32 $0x10, s2;
	[tilespmem:s0+$0x0] =	vst v13;
	v12 =	vnsel vm0, $0x0, v12  }
0xc6: {  	s8 =	sadd.s32 $0x10, s8;
	[tilespmem:s2+$0x0] =	vst v12  }
0xc7: {  	s12 =	sadd.s32 $0x10, s12;
	v12 =	vld [tilespmem:s8+$0x0]  }
0xc8: {  	_ =	sdelay $0x3  }
0xc9: {  	vm0 =	vgt.s32 v12, $0x0  }
0xca: {  	v13 =	vor.u32 s10, v7;
	v12 =	vnsel vm0, $0x0, v12  }
0xcb: {  	v14 =	vshll.u32 v13, $0x2;
	v12 =	vmin.u32 v12, $0x493D  }
0xcc: {  	s0 =	sadd.s32 $0x10, s0;
	vm13 =	vlt.u32 v13, v11;
	v13 =	vadd.s32 v1, v14;
	v12 =	vshll.u32 v12, $0x2  }
0xcd: {  	s28 =	sadd.s32 $0x10, s2;
	[tilespmem:s0+$0x0] =	vst v13;
	v12 =	vnsel vm13, $0x0, v12  }
0xce: {  	s2 =	simm.s32 $0x300;
	s0 =	simm.s32 $0x580;
	[tilespmem:s28+$0x0] =	vst v12  }
0xcf: {  	[spmem:s4] =	stream.indirect.scatter [tilespmem:s0], [sflag:$0x1], $0x1, s2, s19, $0xb8;
	[tilespmem:$0x81E0] =	vst v63  }
0xd0: {  	_ =	swait.ge [sflag:s18], $0x250  }
0xd1: {  	[sflag:s18] =	ssyncset.done $0x0  }
0xd2: {  	s8 =	simm.s32 $0x800;
	[sflag:s18] =	ssyncadd.s32 $0xFFFFFDB0  }
0xd3: {  	v12 =	vld [tilespmem:s8+$0x0];
	_ =	sdelay $0x4  }
0xd4: {  	vm14 =	vgt.s32 v12, $0x0  }
0xd5: {  	s30 =	simm.s32 $0x0;
	v12 =	vnsel vm14, $0x0, v12  }
0xd6: {  	v13 =	vor.u32 s30, v7;
	v12 =	vmin.u32 v12, $0x493D  }
0xd7: {  	v14 =	vshll.u32 v13, $0x2;
	v12 =	vshll.u32 v12, $0x2  }
0xd8: {  	vm15 =	vlt.u32 v13, v11;
	v13 =	vadd.s32 v5, v14;
	v12 =	vor.u32 $0x1, v12  }
0xd9: {  	[tilespmem:s2+$0x0] =	vst v13;
	v12 =	vnsel vm15, $0x1, v12  }
0xda: {  	s10 =	simm.s32 $0x810;
	[tilespmem:s0+$0x0] =	vst v12  }
0xdb: {  	s12 =	simm.s32 $0x20;
	s8 =	simm.s32 $0x10;
	v12 =	vld [tilespmem:s10+$0x0]  }
.LBB2_8:
0xdc: {  	p1 =	sne.s32 s12, $0x240;
	_ =	sdelay $0x3  }
0xdd: {  	vm0 =	vgt.s32 v12, $0x0  }
0xde: {  	v12 =	vnsel vm0, $0x0, v12  }
0xdf: {  	v13 =	vor.u32 s8, v7;
	s8 =	smov.u32 s12;
	v12 =	vmin.u32 v12, $0x493D  }
.Ltmp6:
0xe0: {  	v14 =	vshll.u32 v13, $0x2;
	v12 =	vshll.u32 v12, $0x2;
	(pc) =	sbr.rel @p1 .LBB2_8-.Ltmp6, $4  }
0xe1: {  	s2 =	sadd.s32 $0x10, s2;
	vm0 =	vlt.u32 v13, v11;
	v13 =	vadd.s32 v5, v14;
	v12 =	vor.u32 $0x1, v12  }
0xe2: {  	s0 =	sadd.s32 $0x10, s0;
	[tilespmem:s2+$0x0] =	vst v13;
	v12 =	vnsel vm0, $0x1, v12  }
0xe3: {  	s10 =	sadd.s32 $0x10, s10;
	[tilespmem:s0+$0x0] =	vst v12  }
0xe4: {  	s12 =	sadd.s32 $0x10, s12;
	v12 =	vld [tilespmem:s10+$0x0]  }
0xe5: {  	_ =	sdelay $0x3  }
0xe6: {  	vm0 =	vgt.s32 v12, $0x0  }
0xe7: {  	v12 =	vnsel vm0, $0x0, v12  }
0xe8: {  	v13 =	vor.u32 s8, v7;
	v12 =	vmin.u32 v12, $0x493D  }
0xe9: {  	v14 =	vshll.u32 v13, $0x2;
	v12 =	vshll.u32 v12, $0x2  }
0xea: {  	s2 =	sadd.s32 $0x10, s2;
	vm13 =	vlt.u32 v13, v11;
	v13 =	vadd.s32 v5, v14;
	v12 =	vor.u32 $0x1, v12  }
0xeb: {  	s0 =	sadd.s32 $0x10, s0;
	[tilespmem:s2+$0x0] =	vst v13;
	v12 =	vnsel vm13, $0x1, v12  }
0xec: {  	s2 =	simm.s32 $0x300;
	[tilespmem:s0+$0x0] =	vst v12;
	s0 =	simm.s32 $0x580  }
0xed: {  	[spmem:s4] =	stream.indirect.scatter [tilespmem:s0], [sflag:$0x1], $0x1, s2, s19, $0xb8;
	[tilespmem:$0x81E0] =	vst v63  }
0xee: {  	_ =	swait.ge [sflag:s18], $0x250  }
0xef: {  	[sflag:s18] =	ssyncset.done $0x0  }
0xf0: {  	s28 =	simm.s32 $0x800;
	[sflag:s18] =	ssyncadd.s32 $0xFFFFFDB0  }
0xf1: {  	v12 =	vld [tilespmem:s28+$0x0];
	_ =	sdelay $0x4  }
0xf2: {  	vm14 =	vgt.s32 v12, $0x0  }
0xf3: {  	s30 =	simm.s32 $0x0;
	v12 =	vnsel vm14, $0x0, v12  }
0xf4: {  	v13 =	vor.u32 s30, v7;
	v12 =	vmin.u32 v12, $0x493D  }
0xf5: {  	v14 =	vshll.u32 v13, $0x2;
	v12 =	vshll.u32 v12, $0x2  }
0xf6: {  	vm15 =	vlt.u32 v13, v11;
	v13 =	vadd.s32 v6, v14;
	v12 =	vor.u32 $0x2, v12  }
0xf7: {  	[tilespmem:s2+$0x0] =	vst v13;
	v12 =	vnsel vm15, $0x2, v12  }
0xf8: {  	s10 =	simm.s32 $0x810;
	[tilespmem:s0+$0x0] =	vst v12  }
0xf9: {  	s8 =	simm.s32 $0x10;
	s12 =	simm.s32 $0x20;
	v12 =	vld [tilespmem:s10+$0x0]  }
.LBB2_10:
0xfa: {  	p1 =	sne.s32 s12, $0x240;
	_ =	sdelay $0x3  }
0xfb: {  	vm0 =	vgt.s32 v12, $0x0  }
0xfc: {  	v12 =	vnsel vm0, $0x0, v12  }
0xfd: {  	v13 =	vor.u32 s8, v7;
	s8 =	smov.u32 s12;
	v12 =	vmin.u32 v12, $0x493D  }
.Ltmp7:
0xfe: {  	v14 =	vshll.u32 v13, $0x2;
	v12 =	vshll.u32 v12, $0x2;
	(pc) =	sbr.rel @p1 .LBB2_10-.Ltmp7, $4  }
0xff: {  	s2 =	sadd.s32 $0x10, s2;
	vm0 =	vlt.u32 v13, v11;
	v13 =	vadd.s32 v6, v14;
	v12 =	vor.u32 $0x2, v12  }
0x100: {  	s0 =	sadd.s32 $0x10, s0;
	[tilespmem:s2+$0x0] =	vst v13;
	v12 =	vnsel vm0, $0x2, v12  }
0x101: {  	s10 =	sadd.s32 $0x10, s10;
	[tilespmem:s0+$0x0] =	vst v12  }
0x102: {  	s12 =	sadd.s32 $0x10, s12;
	v12 =	vld [tilespmem:s10+$0x0]  }
0x103: {  	_ =	sdelay $0x3  }
0x104: {  	vm0 =	vgt.s32 v12, $0x0  }
0x105: {  	v12 =	vnsel vm0, $0x0, v12  }
0x106: {  	v13 =	vor.u32 s8, v7;
	v12 =	vmin.u32 v12, $0x493D  }
0x107: {  	v14 =	vshll.u32 v13, $0x2;
	v12 =	vshll.u32 v12, $0x2  }
0x108: {  	s2 =	sadd.s32 $0x10, s2;
	vm13 =	vlt.u32 v13, v11;
	v13 =	vadd.s32 v6, v14;
	v12 =	vor.u32 $0x2, v12  }
0x109: {  	s0 =	sadd.s32 $0x10, s0;
	[tilespmem:s2+$0x0] =	vst v13;
	v12 =	vnsel vm13, $0x2, v12  }
0x10a: {  	s2 =	simm.s32 $0x300;
	[tilespmem:s0+$0x0] =	vst v12;
	s0 =	simm.s32 $0x580  }
0x10b: {  	[spmem:s4] =	stream.indirect.scatter [tilespmem:s0], [sflag:$0x1], $0x1, s2, s19, $0xb8;
	[tilespmem:$0x81E0] =	vst v63  }
0x10c: {  	_ =	swait.ge [sflag:s18], $0x250  }
0x10d: {  	[sflag:s18] =	ssyncset.done $0x0  }
0x10e: {  	s28 =	simm.s32 $0x800;
	[sflag:s18] =	ssyncadd.s32 $0xFFFFFDB0  }
0x10f: {  	v12 =	vld [tilespmem:s28+$0x0];
	_ =	sdelay $0x4  }
0x110: {  	vm14 =	vgt.s32 v12, $0x0  }
0x111: {  	s30 =	simm.s32 $0x0;
	v12 =	vnsel vm14, $0x0, v12  }
0x112: {  	v13 =	vor.u32 s30, v7;
	v12 =	vmin.u32 v12, $0x493D  }
0x113: {  	v14 =	vshll.u32 v13, $0x2;
	v12 =	vshll.u32 v12, $0x2  }
0x114: {  	vm15 =	vlt.u32 v13, v11;
	v13 =	vadd.s32 v8, v14;
	v12 =	vor.u32 $0x3, v12  }
0x115: {  	[tilespmem:s2+$0x0] =	vst v13;
	v12 =	vnsel vm15, $0x3, v12  }
0x116: {  	s10 =	simm.s32 $0x810;
	[tilespmem:s0+$0x0] =	vst v12  }
0x117: {  	s8 =	simm.s32 $0x10;
	s12 =	simm.s32 $0x20;
	v12 =	vld [tilespmem:s10+$0x0]  }
.LBB2_12:
0x118: {  	p1 =	sne.s32 s12, $0x240;
	_ =	sdelay $0x3  }
0x119: {  	vm0 =	vgt.s32 v12, $0x0  }
0x11a: {  	v12 =	vnsel vm0, $0x0, v12  }
0x11b: {  	v13 =	vor.u32 s8, v7;
	s8 =	smov.u32 s12;
	v12 =	vmin.u32 v12, $0x493D  }
.Ltmp8:
0x11c: {  	v14 =	vshll.u32 v13, $0x2;
	v12 =	vshll.u32 v12, $0x2;
	(pc) =	sbr.rel @p1 .LBB2_12-.Ltmp8, $4  }
0x11d: {  	s2 =	sadd.s32 $0x10, s2;
	vm0 =	vlt.u32 v13, v11;
	v13 =	vadd.s32 v8, v14;
	v12 =	vor.u32 $0x3, v12  }
0x11e: {  	s0 =	sadd.s32 $0x10, s0;
	[tilespmem:s2+$0x0] =	vst v13;
	v12 =	vnsel vm0, $0x3, v12  }
0x11f: {  	s10 =	sadd.s32 $0x10, s10;
	[tilespmem:s0+$0x0] =	vst v12  }
0x120: {  	s12 =	sadd.s32 $0x10, s12;
	v12 =	vld [tilespmem:s10+$0x0]  }
0x121: {  	_ =	sdelay $0x3  }
0x122: {  	vm0 =	vgt.s32 v12, $0x0  }
0x123: {  	v12 =	vnsel vm0, $0x0, v12  }
0x124: {  	v13 =	vor.u32 s8, v7;
	v12 =	vmin.u32 v12, $0x493D  }
0x125: {  	v14 =	vshll.u32 v13, $0x2;
	v12 =	vshll.u32 v12, $0x2  }
0x126: {  	s2 =	sadd.s32 $0x10, s2;
	vm15 =	vlt.u32 v13, v11;
	v11 =	vadd.s32 v8, v14;
	v12 =	vor.u32 $0x3, v12  }
0x127: {  	s0 =	sadd.s32 $0x10, s0;
	[tilespmem:s2+$0x0] =	vst v11;
	v11 =	vnsel vm15, $0x3, v12  }
0x128: {  	[tilespmem:s0+$0x0] =	vst v11  }
0x129: {  	[spmem:s4] =	stream.indirect.scatter [tilespmem:s16], [sflag:$0x1], $0x1, s15, s19, $0xb8;
	[tilespmem:$0x81E0] =	vst v63  }
0x12a: {  	_ =	swait.ge [sflag:s18], $0x250  }
0x12b: {  	[sflag:s18] =	ssyncset.done $0x0  }
0x12c: {  	s26 =	simm.s32 $0xA80;
	s25 =	rddreg [dreg:$0x7];
	[sflag:s18] =	ssyncadd.s32 $0xFFFFFDB0  }
0x12d: {  	[tilespmem:s26], [sflag:$0x2] =	stream.linear.gather [spmem:s25], $0x940, $0x38;
	[tilespmem:$0x81E0] =	vst v63  }
0x12e: {  	p1 =	slt.s32 s13, $0x1;
	_ =	swait.ge [sflag:s17], $0x940  }
0x12f: {  	s8 =	simm.s32 @!p1 $0x1400;
	[sflag:s17] =	ssyncset.done $0x0  }
0x130: {  	s2 =	simm.s32 @!p1 $0xA80;
	s0 =	simm.s32 @!p1 $0x40;
	[sflag:s17] =	ssyncadd.s32 $0xFFFFF6C0  }
0x131: {  	[tilespmem:s8], [sflag:$0x1] =	stream.indirect.gather @!p1 [hbm4b:s1+s0], $0x80, s2, s0, $0xb8;
	[tilespmem:$0x81E0] =	vst v63  }
0x132: {  	s0 =	simm.s32 $0x0  }
0x133: {  	s28 =	sand.u32 $0x7E00, s0  }
0x134: {  	s30 =	sand.u32 $0x70, s0;
	s10 =	sshrl.u32 s28, $0x2  }
0x135: {  	[dreg:$0xc] =	wrdreg s13;
	s2 =	simm.s32 $0x40;
	s8 =	sor.u32 s30, s10  }
.LBB2_14:
0x136: {  	p1 =	sne.s32 s2, $0x7FC0  }
0x137: {  	[tilespmem:s8+$0x5400] =	vst v10;
	s0 =	sadd.s32 $0x10, s0;
	s8 =	smov.u32 s2;
	s2 =	sadd.s32 $0x40, s2  }
.Ltmp9:
0x138: {  	(pc) =	sbr.rel @p1 .LBB2_14-.Ltmp9, $4  }
0x139: {  	_ = 	snop  }
0x13a: {  	s8 =	sand.u32 $0x7E00, s8  }
0x13b: {  	s10 =	sand.u32 $0x70, s0;
	s8 =	sshrl.u32 s8, $0x2  }
0x13c: {  	s8 =	sor.u32 s10, s8  }
0x13d: {  	s0 =	rddreg [dreg:$0xa]  }
0x13e: {  	s0 =	sadd.s32 s29, s0  }
0x13f: {  	p1 =	sgt.s32 s0, $0x0  }
.Ltmp10:
0x140: {  	s0 =	simm.s32 @!p1 $0x0;
	(pc) =	sbr.rel .LBB2_16-.Ltmp10, $4  }
0x141: {  	s29 =	smin.u32 s0, $0x250  }
0x142: {  	[tilespmem:s8+$0x5400] =	vst v10;
	s8 =	simm.s32 $0x0;
	s2 =	sshll.u32 s29, $0x5  }
0x143: {  	s28 =	sshll.u32 s29, $0x9;
	s20 =	sshll.u32 s29, $0xB;
	s0 =	sadd.s32 $0xFFFFFFFF, s2  }
0x144: {  	s16 =	sadd.s32 $0xFFFFFDFF, s2;
	s22 =	sadd.s32 $0xFFFFE000, s28;
	s13 =	sadd.s32 $0xFFFF8000, s20  }
.LBB2_27:
0x145: {  	[tilespmem:s15+$0x3400] =	vst v10  }
.LBB2_28:
0x146: {  	s2 =	sadd.s32 s6, s12  }
0x147: {  	s2 =	sshll.u32 s2, $0x6  }
0x148: {  	s2 =	sand.u32 $0x1FFFFC00, s2  }
0x149: {  	s2 =	sadd.s32 s3, s2  }
0x14a: {  	[hbm4b:s2+s5] =	stream.linear.scatter [tilespmem:s24], [sflag:$0x3], $0x2000, $0x38;
	[tilespmem:$0x81E0] =	vst v63  }
0x14b: {  	s2 =	simm.s32 $0x3  }
.LBB2_31:
0x14c: {  	_ =	swait.ge [sflag:s2], $0x2000  }
0x14d: {  	[sflag:s2] =	ssyncset.done $0x0  }
0x14e: {  	[sflag:s2] =	ssyncadd.s32 $0xFFFFE000  }
.LBB2_32:
0x14f: {  	s8 =	sadd.s32 $0x1, s8  }
0x150: {  	p1 =	sne.s32 s8, $0x13  }
.Ltmp11:
0x151: {  	_ = 	snop;
	(pc) =	sbr.rel @!p1 .LBB2_33-.Ltmp11, $3  }
0x152: {  	_ =	sdelay $0x1  }
0x153: {  	s0 =	sadd.s32 $0xFFFFFC00, s0;
	s28 =	sadd.s32 $0xFFFFC000, s28;
	s20 =	sadd.s32 $0xFFFF0000, s20  }
0x154: {  	s16 =	sadd.s32 $0xFFFFFC00, s16;
	s22 =	sadd.s32 $0xFFFFC000, s22;
	s13 =	sadd.s32 $0xFFFF0000, s13  }
.LBB2_16:
0x155: {  	s2 =	sshllo.u32 s8, $0x1  }
0x156: {  	p1 =	sge.u32 s2, s11;
	s12 =	sshll.u32 s2, $0x4  }
0x157: {  	p2 =	sle.u32 @!p1 s31, s12  }
0x158: {  	p2 =	por p2, p1  }
0x159: {  	s2 =	sshll.u32 @!p2 s2, $0x6  }
0x15a: {  	s2 =	sand.u32 @!p2 $0x3FFFFFC0, s2  }
0x15b: {  	s10 =	simm.s32 @!p2 $0x40;
	s14 =	simm.s32 @!p2 $0x3400;
	s2 =	sadd.s32 @!p2 $0xA80, s2  }
0x15c: {  	[tilespmem:s14], [sflag:$0x1] =	stream.indirect.gather @!p2 [hbm4b:s1+s10], $0x80, s2, s10, $0xb8;
	[tilespmem:$0x81E0] =	vst v63  }
0x15d: {  	s15 =	sshll.u32 s8, $0x5;
	s14 =	sshll.u32 s8, $0x1  }
0x15e: {  	s2 =	ssub.s32 s31, s15;
	p2 =	sge.u32 s14, s11  }
0x15f: {  	p3 =	slt.s32 @!p2 s2, $0x1  }
0x160: {  	p3 =	por p2, p3  }
.Ltmp12:
0x161: {  	_ = 	snop;
	(pc) =	sbr.rel @p3 .LBB2_21-.Ltmp12, $1  }
0x162: {  	_ =	sdelay $0x3  }
0x163: {  	p2 =	sgt.u32 s2, $0xF  }
.Ltmp13:
0x164: {  	_ = 	snop;
	(pc) =	sbr.rel @p2 .LBB2_22-.Ltmp13, $4  }
0x165: {  	_ = 	snop  }
0x166: {  	_ =	swait.ge [sflag:s18], $0x2000  }
0x167: {  	[sflag:s18] =	ssyncset.done $0x0  }
0x168: {  	s10 =	simm.s32 $0x1400;
	[sflag:s18] =	ssyncadd.s32 $0xFFFFE000  }
0x169: {  	s26 =	sadd.s32 $0x1, s0  }
0x16a: {  	p2 =	slt.u32 s26, $0x1FF  }
.Ltmp14:
0x16b: {  	_ = 	snop;
	(pc) =	sbr.rel @!p2 .LBB2_20-.Ltmp14, $4  }
0x16c: {  	_ = 	snop  }
0x16d: {  	s2 =	sand.u32 $0x7E00, s20  }
0x16e: {  	s21 =	sand.u32 $0x70, s28;
	s2 =	sshrl.u32 s2, $0x2  }
0x16f: {  	s25 =	smov.u32 s20;
	s21 =	sor.u32 s21, s2;
	s2 =	smov.u32 s28  }
.LBB2_19:
0x170: {  	s26 =	sadd.s32 $0x1, s26  }
0x171: {  	[tilespmem:s21+$0x1400] =	vst v10;
	s2 =	sadd.s32 $0x10, s2;
	s25 =	sadd.s32 $0x40, s25;
	p2 =	slt.u32 s26, $0x1FF  }
.Ltmp15:
0x172: {  	(pc) =	sbr.rel @p2 .LBB2_19-.Ltmp15, $4  }
0x173: {  	_ = 	snop  }
0x174: {  	s21 =	sand.u32 $0x7E00, s25  }
0x175: {  	s30 =	sand.u32 $0x70, s2;
	s21 =	sshrl.u32 s21, $0x2  }
0x176: {  	s21 =	sor.u32 s30, s21  }
.LBB2_20:
.Ltmp16:
0x177: {  	(pc) =	sbr.rel .LBB2_22-.Ltmp16, $2  }
0x178: {  	_ =	sdelay $0x2  }
0x179: {  	[tilespmem:s21+$0x1400] =	vst v10  }
.LBB2_21:
0x17a: {  	p3 =	sgt.s32 @!p2 s2, $0x0  }
0x17b: {  	p2 =	por p2, p3  }
.Ltmp17:
0x17c: {  	_ = 	snop;
	(pc) =	sbr.rel @p2 .LBB2_23-.Ltmp17, $2  }
0x17d: {  	_ =	sdelay $0x2  }
0x17e: {  	s10 =	simm.s32 $0x5400  }
.LBB2_22:
0x17f: {  	s2 =	sadd.s32 s6, s15  }
0x180: {  	s2 =	sshll.u32 s2, $0x6  }
0x181: {  	s2 =	sadd.s32 s3, s2  }
0x182: {  	[hbm4b:s2+s5] =	stream.linear.scatter [tilespmem:s10], [sflag:$0x3], $0x2000, $0x38;
	[tilespmem:$0x81E0] =	vst v63  }
0x183: {  	_ =	swait.ge [sflag:s23], $0x2000  }
0x184: {  	[sflag:s23] =	ssyncset.done $0x0  }
0x185: {  	[sflag:s23] =	ssyncadd.s32 $0xFFFFE000  }
.LBB2_23:
0x186: {  	s2 =	sadd.s32 $0x2, s14  }
0x187: {  	p2 =	sge.u32 s2, s11;
	s10 =	sshll.u32 s2, $0x4  }
0x188: {  	p3 =	sle.u32 @!p2 s31, s10  }
0x189: {  	p2 =	por p3, p2  }
0x18a: {  	s2 =	sshll.u32 @!p2 s2, $0x6  }
0x18b: {  	s2 =	sand.u32 @!p2 $0x3FFFFFC0, s2  }
0x18c: {  	s10 =	simm.s32 @!p2 $0x40;
	s14 =	simm.s32 @!p2 $0x1400;
	s2 =	sadd.s32 @!p2 $0xA80, s2  }
0x18d: {  	[tilespmem:s14], [sflag:$0x1] =	stream.indirect.gather @!p2 [hbm4b:s1+s10], $0x80, s2, s10, $0xb8;
	[tilespmem:$0x81E0] =	vst v63  }
0x18e: {  	s2 =	ssub.s32 s31, s12  }
0x18f: {  	p2 =	slt.s32 @!p1 s2, $0x1  }
0x190: {  	p2 =	por p1, p2  }
.Ltmp18:
0x191: {  	_ = 	snop;
	(pc) =	sbr.rel @p2 .LBB2_29-.Ltmp18, $1  }
0x192: {  	_ =	sdelay $0x3  }
0x193: {  	p1 =	sgt.u32 s2, $0xF  }
.Ltmp19:
0x194: {  	_ = 	snop;
	(pc) =	sbr.rel @p1 .LBB2_28-.Ltmp19, $4  }
0x195: {  	_ = 	snop  }
0x196: {  	_ =	swait.ge [sflag:s18], $0x2000  }
0x197: {  	[sflag:s18] =	ssyncset.done $0x0  }
0x198: {  	[sflag:s18] =	ssyncadd.s32 $0xFFFFE000  }
0x199: {  	s10 =	sadd.s32 $0x1, s16  }
0x19a: {  	p1 =	slt.u32 s10, $0x1FF  }
.Ltmp20:
0x19b: {  	_ = 	snop;
	(pc) =	sbr.rel @!p1 .LBB2_27-.Ltmp20, $4  }
0x19c: {  	_ = 	snop  }
0x19d: {  	s2 =	sand.u32 $0x7E00, s13  }
0x19e: {  	s14 =	sand.u32 $0x70, s22;
	s2 =	sshrl.u32 s2, $0x2  }
0x19f: {  	s15 =	sor.u32 s14, s2;
	s2 =	smov.u32 s22;
	s14 =	smov.u32 s13  }
.LBB2_26:
0x1a0: {  	s10 =	sadd.s32 $0x1, s10  }
0x1a1: {  	[tilespmem:s15+$0x3400] =	vst v10;
	s2 =	sadd.s32 $0x10, s2;
	s14 =	sadd.s32 $0x40, s14;
	p1 =	slt.u32 s10, $0x1FF  }
.Ltmp21:
0x1a2: {  	(pc) =	sbr.rel @p1 .LBB2_26-.Ltmp21, $4  }
0x1a3: {  	_ = 	snop  }
0x1a4: {  	s15 =	sand.u32 $0x7E00, s14  }
0x1a5: {  	s21 =	sand.u32 $0x70, s2;
	s15 =	sshrl.u32 s15, $0x2  }
0x1a6: {  	s15 =	sor.u32 s21, s15  }
.Ltmp22:
0x1a7: {  	_ = 	snop;
	(pc) =	sbr.rel .LBB2_27-.Ltmp22, $1  }
0x1a8: {  	_ =	sdelay $0x3  }
.LBB2_29:
0x1a9: {  	p2 =	sgt.s32 @!p1 s2, $0x0  }
0x1aa: {  	p1 =	por p1, p2  }
.Ltmp23:
0x1ab: {  	_ = 	snop;
	(pc) =	sbr.rel @p1 .LBB2_32-.Ltmp23, $1  }
0x1ac: {  	_ =	sdelay $0x3  }
0x1ad: {  	s2 =	sadd.s32 s6, s12  }
.Ltmp24:
0x1ae: {  	s2 =	sshll.u32 s2, $0x6;
	(pc) =	sbr.rel .LBB2_31-.Ltmp24, $4  }
0x1af: {  	s2 =	sand.u32 $0x1FFFFC00, s2  }
0x1b0: {  	s10 =	simm.s32 $0x5400;
	s2 =	sadd.s32 s3, s2  }
0x1b1: {  	[hbm4b:s2+s5] =	stream.linear.scatter [tilespmem:s10], [sflag:$0x2], $0x2000, $0x38;
	[tilespmem:$0x81E0] =	vst v63  }
0x1b2: {  	s2 =	simm.s32 $0x2  }
.LBB2_33:
.Ltmp25:
0x1b3: {  	(pc) =	sbr.rel @p0 .LBB2_39-.Ltmp25, $2  }
0x1b4: {  	_ =	sdelay $0x2  }
0x1b5: {  	s15 =	simm.s32 $0x300;
	s16 =	simm.s32 $0x580;
	s2 =	rddreg [dreg:$0xb]  }
0x1b6: {  	s10 =	rddreg [dreg:$0xc]  }
0x1b7: {  	p1 =	slt.s32 s10, $0x181  }
0x1b8: {  	s0 =	simm.s32 @!p1 $0x38  }
0x1b9: {  	s2 =	simm.s32 @!p1 $0x1080;
	s8 =	simm.s32 @!p1 $0x1400;
	p2 =	sgt.u32 @!p1 s10, $0x18D  }
0x1ba: {  	[tilespmem:s8], [sflag:$0x1] =	stream.indirect.gather @!p1 [hbm4b:s1+s0], $0x80, s2, s0, $0xb8;
	[tilespmem:$0x81E0] =	vst v63  }
0x1bb: {  	p2 =	por p1, !p2  }
.Ltmp26:
0x1bc: {  	_ = 	snop;
	(pc) =	sbr.rel @!p2 .LBB2_38-.Ltmp26, $4  }
0x1bd: {  	s0 =	simm.s32 @!p1 $0x1  }
0x1be: {  	_ =	swait.ge @!p1 [sflag:s0], $0x1C00  }
0x1bf: {  	[sflag:s0] =	ssyncset.done @!p1 $0x0  }
0x1c0: {  	[sflag:s0] =	ssyncadd.s32 @!p1 $0xFFFFE400  }
0x1c1: {  	s0 =	smax.u32 s29, $0x180  }
0x1c2: {  	s0 =	smin.u32 s0, $0x18E  }
0x1c3: {  	s2 =	sshll.u32 s0, $0x5  }
0x1c4: {  	s8 =	sshll.u32 s0, $0xB;
	s10 =	sadd.s32 $0xFFFFCFFF, s2  }
0x1c5: {  	s30 =	sshll.u32 s0, $0x9;
	s0 =	sadd.s32 $0xFFF40000, s8;
	s8 =	sadd.s32 $0x1, s10  }
0x1c6: {  	p1 =	slt.u32 s8, $0x1BF  }
.Ltmp27:
0x1c7: {  	_ = 	snop;
	(pc) =	sbr.rel @!p1 .LBB2_37-.Ltmp27, $4  }
0x1c8: {  	_ = 	snop  }
0x1c9: {  	s2 =	sadd.s32 $0xFFFD0000, s30;
	s31 =	sand.u32 $0x7E00, s0  }
0x1ca: {  	s12 =	sand.u32 $0x70, s2;
	s10 =	sshrl.u32 s31, $0x2  }
0x1cb: {  	s10 =	sor.u32 s12, s10  }
.LBB2_36:
0x1cc: {  	s8 =	sadd.s32 $0x1, s8  }
0x1cd: {  	[tilespmem:s10+$0x1400] =	vst v10;
	s2 =	sadd.s32 $0x10, s2;
	s0 =	sadd.s32 $0x40, s0;
	p1 =	slt.u32 s8, $0x1BF  }
.Ltmp28:
0x1ce: {  	(pc) =	sbr.rel @p1 .LBB2_36-.Ltmp28, $4  }
0x1cf: {  	_ = 	snop  }
0x1d0: {  	s10 =	sand.u32 $0x7E00, s0  }
0x1d1: {  	s12 =	sand.u32 $0x70, s2;
	s10 =	sshrl.u32 s10, $0x2  }
0x1d2: {  	s10 =	sor.u32 s12, s10  }
.Ltmp29:
0x1d3: {  	_ = 	snop;
	(pc) =	sbr.rel .LBB2_37-.Ltmp29, $1  }
0x1d4: {  	_ =	sdelay $0x3  }
.LBB2_40:
0x1d5: {  	_ =	sfence.sel $0x180000  }
0x1d6: {  	[bflag:$0x0] =	sbarrier.arrive $0xFFFF  }
0x1d7: {  	_ =	strace $0x90000047  }
0x1d8: {  	s0 =	stileid.u32;
	[bflag:$0x2] =	sbarrier.arrive $0xFFFF  }
0x1d9: {  	p0 =	sne.s32 s0, $0x0;
	s0 =	rddreg [dreg:$0x4]  }
0x1da: {  	s0 =	sadd.s32 @!p0 $0x100000, s0  }
0x1db: {  	[sflag:s0] =	ssyncadd.tile.s32 @!p0 $0x1;
	_ =	shalt  }
.Lfunc_end2:
_tile_overlayer_lowered:
.L_overlay_start_2:
0x1dc: {  	(tag) =	ssettag $0x2  }
0x1dd: {  	s0 =	rddreg [dreg:$0x0];
	s2 =	stileid.u32  }
0x1de: {  	s1 =	rddreg [dreg:$0x1];
	p0 =	sne.s32 s2, $0x0  }
0x1df: {  	s3 =	rddreg [dreg:$0x2];
	[bflag:$0x3] =	sbarrier.arrive $0xFFFF;
	s2 =	simm.s32 @!p0 $0x1C02  }
0x1e0: {  	[timem:s3], [sflag:s2] =	dma.local @!p0 [hbm:s0], s1  }
0x1e1: {  	s0 =	simm.s32 @!p0 $0x2  }
0x1e2: {  	_ =	swait.ge @!p0 [sflag:s0], s1  }
0x1e3: {  	s1 =	ssub.s32 @!p0 $0x0, s1;
	[sflag:s0] =	ssyncset.done @!p0 $0x0  }
0x1e4: {  	[sflag:s0] =	ssyncadd.s32 @!p0 s1  }
0x1e5: {  	[bflag:$0x3] =	sbarrier.arrive $0xFFFF  }
0x1e6: {  	_ =	shalt  }

</sc_bundles>
